<compile_context>
chip_gen: v7x
topology: tpu7x:2x2x1
jax: 0.10.2.dev20260603
libtpu: 0.0.44.dev20260713+nightly
codegen_flags: <defaults>
</compile_context>

<pallas_src>
import functools

import jax
import jax.numpy as jnp
from jax import lax
from jax.experimental import pallas as pl
from jax.experimental.pallas import tpu as pltpu
from jax.experimental.pallas import tpu_sc as plsc

NC = 2
NS = 16
L = 16
NW = NC * NS

G = 128
K = 256
ZR = 160


def _deg_kernel(npad, ch):
    mesh = plsc.VectorSubcoreMesh(core_axis_name="c", subcore_axis_name="s")

    @functools.partial(
        pl.kernel,
        out_type=jax.ShapeDtypeStruct((NW, npad), jnp.float32),
        mesh=mesh,
        compiler_params=pltpu.CompilerParams(needs_layout_passes=False),
        scratch_types=[
            pltpu.VMEM((ch, K), jnp.int32),
            pltpu.VMEM((npad,), jnp.float32),
        ],
    )
    def deg_kernel(dst_hbm, out_hbm, idx_v, hist_v):
        c = lax.axis_index("c")
        s = lax.axis_index("s")
        wid = s * NC + c
        zero16 = jnp.zeros((L,), jnp.float32)
        ones16 = jnp.ones((L,), jnp.float32)

        @pl.loop(0, npad // L)
        def _(i):
            hist_v[pl.ds(i * L, L)] = zero16

        pltpu.sync_copy(dst_hbm.at[wid], idx_v)

        @pl.loop(0, ch)
        def _(j):
            for gi in range(K // L):
                idx = idx_v[j, pl.ds(gi * L, L)]
                plsc.addupdate_scatter(hist_v, [idx], ones16)

        pltpu.sync_copy(hist_v, out_hbm.at[wid])

    return deg_kernel


def _scatter_kernel(npad, h, ch):
    rpt = npad // NS
    mesh = plsc.VectorSubcoreMesh(core_axis_name="c", subcore_axis_name="s")

    @functools.partial(
        pl.kernel,
        out_type=jax.ShapeDtypeStruct((NC, npad, h), jnp.float32),
        mesh=mesh,
        compiler_params=pltpu.CompilerParams(use_tc_tiling_on_sc=False),
        scratch_types=[
            pltpu.VMEM((ch, K), jnp.int32),
            pltpu.VMEM((ch, K), jnp.int32),
            [pltpu.VMEM((K, h), jnp.float32) for _ in range(3)],
            pltpu.VMEM((ZR, h), jnp.float32),
            pltpu.VMEM_SHARED((npad, h), jnp.float32),
            [pltpu.SemaphoreType.DMA for _ in range(3)],
            [pltpu.SemaphoreType.DMA for _ in range(3)],
        ],
    )
    def scat_kernel(g_hbm, src_hbm, dst_hbm, out_hbm, si_v, di_v, rows,
                    z_v, acc, gs, ss):
        c = lax.axis_index("c")
        s = lax.axis_index("s")
        wid = s * NC + c
        zero16 = jnp.zeros((L,), jnp.float32)
        D = 3
        nfull = ch // D

        @pl.loop(0, ZR)
        def _(i):
            for j in range(h // L):
                z_v[i, pl.ds(j * L, L)] = zero16

        for t in range(rpt // ZR):
            pltpu.sync_copy(z_v, acc.at[pl.ds(s * rpt + t * ZR, ZR)])
        plsc.subcore_barrier()

        pltpu.sync_copy(src_hbm.at[wid], si_v)
        pltpu.sync_copy(dst_hbm.at[wid], di_v)

        for b in range(min(D, ch)):
            pltpu.async_copy(g_hbm.at[si_v.at[b]], rows[b], gs[b])

        @pl.loop(0, nfull)
        def _(i):
            j0 = i * D
            for b in range(D):
                pltpu.make_async_copy(g_hbm.at[si_v.at[j0 + b]], rows[b],
                                      gs[b]).wait()
                pltpu.async_copy(rows[b], acc.at[di_v.at[j0 + b]], ss[b],
                                 add=True)
            for b in range(D):
                pltpu.make_async_copy(rows[b], acc.at[di_v.at[j0 + b]],
                                      ss[b]).wait()

                @pl.when(j0 + D + b < ch)
                def _():
                    pltpu.async_copy(g_hbm.at[si_v.at[j0 + D + b]], rows[b],
                                     gs[b])

        for b in range(ch % D):
            j = nfull * D + b
            pltpu.make_async_copy(g_hbm.at[si_v.at[j]], rows[b], gs[b]).wait()
            pltpu.sync_copy(rows[b], acc.at[di_v.at[j]], add=True)

        plsc.subcore_barrier()
        pltpu.sync_copy(acc.at[pl.ds(s * rpt, rpt)],
                        out_hbm.at[c, pl.ds(s * rpt, rpt)])

    return scat_kernel


def _k2_body(degt_ref, x_ref, w1_ref, g1_ref, dinv_ref):
    deg = jnp.sum(degt_ref[...], axis=1, keepdims=True) + 1.0
    dinv = lax.rsqrt(deg)
    h1 = jnp.dot(x_ref[...], w1_ref[...], preferred_element_type=jnp.float32)
    g1_ref[...] = h1 * dinv
    dinv_ref[...] = dinv


def _k4_body(g1_ref, p_ref, dinv_ref, b1_ref, w2_ref, g2_ref):
    dinv = dinv_ref[...]
    agg = dinv * (g1_ref[...] + p_ref[0] + p_ref[1])
    hid = jax.nn.relu(agg + b1_ref[...])
    g2_ref[...] = dinv * jnp.dot(hid, w2_ref[...],
                                 preferred_element_type=jnp.float32)


def _k6_body(g2_ref, q_ref, dinv_ref, b2_ref, batch_ref, wl_ref, bl_ref,
             out_ref):
    dinv = dinv_ref[...]
    agg = dinv * (g2_ref[...] + q_ref[0] + q_ref[1])
    h2 = jax.nn.relu(agg + b2_ref[...])
    ids = batch_ref[...]
    gids = lax.broadcasted_iota(jnp.int32, (1, G), 1)
    onehot = (ids == gids).astype(jnp.float32)
    sums = lax.dot_general(onehot, h2, (((0,), (0,)), ((), ())),
                           preferred_element_type=jnp.float32)
    cnt = jnp.sum(onehot, axis=0)[:, None]
    mean = sums / jnp.maximum(cnt, 1.0)
    logits = jnp.dot(mean, wl_ref[...],
                     preferred_element_type=jnp.float32) + bl_ref[...]
    z = logits - jnp.max(logits, axis=1, keepdims=True)
    out_ref[...] = z - jnp.log(jnp.sum(jnp.exp(z), axis=1, keepdims=True))


def kernel(x, edge_index, batch, W1, b1, W2, b2, Wl, bl):
    n, fin = x.shape
    h = W1.shape[1]
    c_out = Wl.shape[1]
    e = edge_index.shape[1]

    npad = ((n + NS * ZR - 1) // (NS * ZR)) * (NS * ZR)
    epw = ((e + NW * K - 1) // (NW * K)) * K
    epad = epw * NW
    ch = epw // K

    pad_e = epad - e
    pad_ids = n + (jnp.arange(pad_e, dtype=jnp.int32) % (npad - n))
    src = jnp.concatenate([edge_index[0], pad_ids]).reshape(NW, ch, K)
    dst = jnp.concatenate([edge_index[1], pad_ids]).reshape(NW, ch, K)
    x_pad = jnp.pad(x, ((0, npad - n), (0, 0)))
    batch_pad = jnp.concatenate(
        [batch, jnp.full((npad - n,), G, jnp.int32)])[:, None]

    deg_parts = _deg_kernel(npad, ch)(dst)
    degt = deg_parts.T

    g1, dinv = pl.pallas_call(
        _k2_body,
        out_shape=(
            jax.ShapeDtypeStruct((npad, h), jnp.float32),
            jax.ShapeDtypeStruct((npad, 1), jnp.float32),
        ),
    )(degt, x_pad, W1)

    scat = _scatter_kernel(npad, h, ch)
    p = scat(g1, src, dst)

    g2 = pl.pallas_call(
        _k4_body,
        out_shape=jax.ShapeDtypeStruct((npad, h), jnp.float32),
    )(g1, p, dinv, b1[None, :], W2)

    q = scat(g2, src, dst)

    out = pl.pallas_call(
        _k6_body,
        out_shape=jax.ShapeDtypeStruct((G, c_out), jnp.float32),
    )(g2, q, dinv, b2[None, :], batch_pad, Wl, bl[None, :])
    return out

# --- scband reference (transcript-rebuilt; emitter-appended) ---
"""Pipeline reference for scband-gnnclassifier-16097537425459 (READ-ONLY COPY).

The authoritative reference and input builder live on the scoring server;
editing this copy changes nothing except your own understanding.
"""

import jax, jax.numpy as jnp
import numpy as np

N = 10000
E = 320000
F_IN = 128
H = 64
C = 10
G = 128


def gcn_conv(x, edge_index, W, b):
    # PyG GCNConv: add self-loops, symmetric deg^-1/2 normalization, linear, scatter-add, bias
    src = edge_index[0]
    dst = edge_index[1]
    loop = jnp.arange(N, dtype=src.dtype)
    src = jnp.concatenate([src, loop])
    dst = jnp.concatenate([dst, loop])
    h = x @ W
    deg = jnp.zeros((N,), jnp.float32).at[dst].add(1.0)
    dinv = jnp.where(deg > 0, jax.lax.rsqrt(deg), 0.0)
    norm = dinv[src] * dinv[dst]
    msg = h[src] * norm[:, None]
    out = jnp.zeros((N, h.shape[1]), h.dtype).at[dst].add(msg)
    return out + b


def setup_inputs(seed: int = 0) -> dict:
    key = jax.random.key(seed)
    ks = jax.random.split(key, 9)
    x = jax.random.normal(ks[0], (N, F_IN), dtype=jnp.float32)
    edge_index = jax.random.randint(ks[1], (2, E), 0, N, dtype=jnp.int32)
    batch = jnp.sort(jax.random.randint(ks[2], (N,), 0, G, dtype=jnp.int32))
    W1 = jax.random.normal(ks[3], (F_IN, H), dtype=jnp.float32) * (1.0 / np.sqrt(F_IN))
    b1 = jnp.zeros((H,), jnp.float32)
    W2 = jax.random.normal(ks[4], (H, H), dtype=jnp.float32) * (1.0 / np.sqrt(H))
    b2 = jnp.zeros((H,), jnp.float32)
    Wl = jax.random.normal(ks[5], (H, C), dtype=jnp.float32) * (1.0 / np.sqrt(H))
    bl = jnp.zeros((C,), jnp.float32)
    return {"x": x, "edge_index": edge_index, "batch": batch, "W1": W1, "b1": b1, "W2": W2, "b2": b2, "Wl": Wl, "bl": bl}


def reference(x, edge_index, batch, W1, b1, W2, b2, Wl, bl):
    h = jax.nn.relu(gcn_conv(x, edge_index, W1, b1))
    h = jax.nn.relu(gcn_conv(h, edge_index, W2, b2))
    sums = jax.ops.segment_sum(h, batch, num_segments=G)
    cnt = jax.ops.segment_sum(jnp.ones((N,), jnp.float32), batch, num_segments=G)
    mean = sums / jnp.maximum(cnt, 1.0)[:, None]
    logits = mean @ Wl + bl
    return jax.nn.log_softmax(logits, axis=1)

if __name__ == "__main__":
    import jax
    _d = setup_inputs()
    print(jax.jit(kernel)(*tuple(_d.values())))

</pallas_src>

<mosaic_0001>
#map = affine_map<(d0, d1) -> (0, 0, 0)>
#map1 = affine_map<(d0, d1) -> (0, 0)>
module attributes {stable_mosaic.version = 14 : i64} {
  func.func @deg_kernel(%arg0: i32, %arg1: i32, %arg2: memref<32x40x256xi32, #tpu.memory_space<hbm>>, %arg3: memref<32x10240xf32, #tpu.memory_space<hbm>>, %arg4: memref<40x256xi32, #tpu.memory_space<vmem>>, %arg5: memref<10240xf32, #tpu.memory_space<vmem>>) attributes {dimension_semantics = [#tpu.dimension_semantics<core_parallel>, #tpu.dimension_semantics<subcore_parallel>], iteration_bounds = array<i64: 2, 16>, scalar_prefetch = 0 : i64, scratch_operands = 2 : i64, tpu.core_type = #tpu.core_type<sc_vector_subcore>, window_params = [{transform_indices = #map}, {transform_indices = #map1}]} {
    %mul3A = arith.constant 2 : i32
    %mul3A_0 = arith.muli %arg1, %mul3A : i32
    %add3A = arith.addi %mul3A_0, %arg0 : i32
    %broadcast_in_dim3A = arith.constant 0.000000e+00 : f32
    %broadcast_in_dim3A_1 = vector.broadcast %broadcast_in_dim3A : f32 to vector<16xf32>
    %broadcast_in_dim3A_2 = arith.constant 1.000000e+00 : f32
    %broadcast_in_dim3A_3 = vector.broadcast %broadcast_in_dim3A_2 : f32 to vector<16xf32>
    %scan3A = arith.constant 0 : i32
    %scan3A_4 = arith.constant 640 : i32
    %scan3A_5 = arith.addi %scan3A, %scan3A_4 : i32
    %scan3A_6 = arith.constant 1 : i32
    scf.for %scan3A_13 = %scan3A to %scan3A_5 step %scan3A_6  : i32 {
      %mul3A_14 = arith.constant 1 : i32
      %mul3A_15 = arith.muli %scan3A_13, %mul3A_14 : i32
      %add3A_16 = arith.constant 0 : i32
      %add3A_17 = arith.addi %add3A_16, %mul3A_15 : i32
      %mul3A_18 = arith.constant 16 : i32
      %mul3A_19 = arith.muli %add3A_17, %mul3A_18 : i32
      %swap3A = arith.index_cast %mul3A_19 : i32 to index
      %swap3A_20 = tpu.vector_load %arg5[%swap3A] {strides = array<i32>} : memref<10240xf32, #tpu.memory_space<vmem>>, vector<16xf32>,
      tpu.vector_store %arg5[%swap3A], %broadcast_in_dim3A_1 {strides = array<i32>} : memref<10240xf32, #tpu.memory_space<vmem>>, vector<16xf32>,
    }
    %scan3A_7 = arith.constant 640 : i32
    "tpu.region"() ({
      %run_scoped3A = tpu.sem_alloc : memref<!tpu.dma_semaphore, #tpu.memory_space<semaphore_mem>>
      %dma_start3A = arith.constant 0 : i32
      %dma_start3A_13 = arith.constant 0 : i32
      %dma_start3A_14 = tpu.memref_slice %arg2[%add3A, %dma_start3A, %dma_start3A_13] : memref<32x40x256xi32, #tpu.memory_space<hbm>> -> memref<1x40x256xi32, #tpu.memory_space<hbm>>
      %dma_start3A_15 = tpu.memref_squeeze %dma_start3A_14 : memref<1x40x256xi32, #tpu.memory_space<hbm>> -> memref<40x256xi32, #tpu.memory_space<hbm>>
      %dma_start3A_16 = arith.constant 0 : i32
      %dma_start3A_17 = arith.constant 0 : i32
      %dma_start3A_18 = tpu.memref_slice %arg2[%add3A, %dma_start3A_16, %dma_start3A_17] : memref<32x40x256xi32, #tpu.memory_space<hbm>> -> memref<1x40x256xi32, #tpu.memory_space<hbm>>
      %dma_start3A_19 = tpu.memref_squeeze %dma_start3A_18 : memref<1x40x256xi32, #tpu.memory_space<hbm>> -> memref<40x256xi32, #tpu.memory_space<hbm>>
      tpu.enqueue_dma source(%dma_start3A_19 : memref<40x256xi32, #tpu.memory_space<hbm>>) target(%arg4 : memref<40x256xi32, #tpu.memory_space<vmem>>) target_semaphore(%run_scoped3A : memref<!tpu.dma_semaphore, #tpu.memory_space<semaphore_mem>>)
      %dma_wait3A = arith.constant 0 : i32
      %dma_wait3A_20 = arith.constant 0 : i32
      %dma_wait3A_21 = tpu.memref_slice %arg2[%add3A, %dma_wait3A, %dma_wait3A_20] : memref<32x40x256xi32, #tpu.memory_space<hbm>> -> memref<1x40x256xi32, #tpu.memory_space<hbm>>
      %dma_wait3A_22 = tpu.memref_squeeze %dma_wait3A_21 : memref<1x40x256xi32, #tpu.memory_space<hbm>> -> memref<40x256xi32, #tpu.memory_space<hbm>>
      %dma_wait3A_23 = arith.constant 0 : i32
      %dma_wait3A_24 = arith.constant 0 : i32
      %dma_wait3A_25 = tpu.memref_slice %arg2[%add3A, %dma_wait3A_23, %dma_wait3A_24] : memref<32x40x256xi32, #tpu.memory_space<hbm>> -> memref<1x40x256xi32, #tpu.memory_space<hbm>>
      %dma_wait3A_26 = tpu.memref_squeeze %dma_wait3A_25 : memref<1x40x256xi32, #tpu.memory_space<hbm>> -> memref<40x256xi32, #tpu.memory_space<hbm>>
      tpu.wait_dma2 semaphore(%run_scoped3A : memref<!tpu.dma_semaphore, #tpu.memory_space<semaphore_mem>>) src(%dma_wait3A_26 : memref<40x256xi32, #tpu.memory_space<hbm>>) dst(%arg4 : memref<40x256xi32, #tpu.memory_space<vmem>>)
      tpu.yield
    }) : () -> ()
    %scan3A_8 = arith.constant 0 : i32
    %scan3A_9 = arith.constant 40 : i32
    %scan3A_10 = arith.addi %scan3A_8, %scan3A_9 : i32
    %scan3A_11 = arith.constant 1 : i32
    scf.for %scan3A_13 = %scan3A_8 to %scan3A_10 step %scan3A_11  : i32 {
      %mul3A_14 = arith.constant 1 : i32
      %mul3A_15 = arith.muli %scan3A_13, %mul3A_14 : i32
      %add3A_16 = arith.constant 0 : i32
      %add3A_17 = arith.addi %add3A_16, %mul3A_15 : i32
      %get3A = arith.index_cast %add3A_17 : i32 to index
      %get3A_18 = arith.constant 0 : index
      %get3A_19 = tpu.vector_load %arg4[%get3A, %get3A_18] {strides = array<i32>} : memref<40x256xi32, #tpu.memory_space<vmem>>, vector<16xi32>,
      tpu.vector_store_idx %arg5[%get3A_19], %broadcast_in_dim3A_3 {add = true} : memref<10240xf32, #tpu.memory_space<vmem>>[vector<16xi32>], vector<16xf32>,
      %get3A_20 = arith.index_cast %add3A_17 : i32 to index
      %get3A_21 = arith.constant 16 : index
      %get3A_22 = tpu.vector_load %arg4[%get3A_20, %get3A_21] {strides = array<i32>} : memref<40x256xi32, #tpu.memory_space<vmem>>, vector<16xi32>,
      tpu.vector_store_idx %arg5[%get3A_22], %broadcast_in_dim3A_3 {add = true} : memref<10240xf32, #tpu.memory_space<vmem>>[vector<16xi32>], vector<16xf32>,
      %get3A_23 = arith.index_cast %add3A_17 : i32 to index
      %get3A_24 = arith.constant 32 : index
      %get3A_25 = tpu.vector_load %arg4[%get3A_23, %get3A_24] {strides = array<i32>} : memref<40x256xi32, #tpu.memory_space<vmem>>, vector<16xi32>,
      tpu.vector_store_idx %arg5[%get3A_25], %broadcast_in_dim3A_3 {add = true} : memref<10240xf32, #tpu.memory_space<vmem>>[vector<16xi32>], vector<16xf32>,
      %get3A_26 = arith.index_cast %add3A_17 : i32 to index
      %get3A_27 = arith.constant 48 : index
      %get3A_28 = tpu.vector_load %arg4[%get3A_26, %get3A_27] {strides = array<i32>} : memref<40x256xi32, #tpu.memory_space<vmem>>, vector<16xi32>,
      tpu.vector_store_idx %arg5[%get3A_28], %broadcast_in_dim3A_3 {add = true} : memref<10240xf32, #tpu.memory_space<vmem>>[vector<16xi32>], vector<16xf32>,
      %get3A_29 = arith.index_cast %add3A_17 : i32 to index
      %get3A_30 = arith.constant 64 : index
      %get3A_31 = tpu.vector_load %arg4[%get3A_29, %get3A_30] {strides = array<i32>} : memref<40x256xi32, #tpu.memory_space<vmem>>, vector<16xi32>,
      tpu.vector_store_idx %arg5[%get3A_31], %broadcast_in_dim3A_3 {add = true} : memref<10240xf32, #tpu.memory_space<vmem>>[vector<16xi32>], vector<16xf32>,
      %get3A_32 = arith.index_cast %add3A_17 : i32 to index
      %get3A_33 = arith.constant 80 : index
      %get3A_34 = tpu.vector_load %arg4[%get3A_32, %get3A_33] {strides = array<i32>} : memref<40x256xi32, #tpu.memory_space<vmem>>, vector<16xi32>,
      tpu.vector_store_idx %arg5[%get3A_34], %broadcast_in_dim3A_3 {add = true} : memref<10240xf32, #tpu.memory_space<vmem>>[vector<16xi32>], vector<16xf32>,
      %get3A_35 = arith.index_cast %add3A_17 : i32 to index
      %get3A_36 = arith.constant 96 : index
      %get3A_37 = tpu.vector_load %arg4[%get3A_35, %get3A_36] {strides = array<i32>} : memref<40x256xi32, #tpu.memory_space<vmem>>, vector<16xi32>,
      tpu.vector_store_idx %arg5[%get3A_37], %broadcast_in_dim3A_3 {add = true} : memref<10240xf32, #tpu.memory_space<vmem>>[vector<16xi32>], vector<16xf32>,
      %get3A_38 = arith.index_cast %add3A_17 : i32 to index
      %get3A_39 = arith.constant 112 : index
      %get3A_40 = tpu.vector_load %arg4[%get3A_38, %get3A_39] {strides = array<i32>} : memref<40x256xi32, #tpu.memory_space<vmem>>, vector<16xi32>,
      tpu.vector_store_idx %arg5[%get3A_40], %broadcast_in_dim3A_3 {add = true} : memref<10240xf32, #tpu.memory_space<vmem>>[vector<16xi32>], vector<16xf32>,
      %get3A_41 = arith.index_cast %add3A_17 : i32 to index
      %get3A_42 = arith.constant 128 : index
      %get3A_43 = tpu.vector_load %arg4[%get3A_41, %get3A_42] {strides = array<i32>} : memref<40x256xi32, #tpu.memory_space<vmem>>, vector<16xi32>,
      tpu.vector_store_idx %arg5[%get3A_43], %broadcast_in_dim3A_3 {add = true} : memref<10240xf32, #tpu.memory_space<vmem>>[vector<16xi32>], vector<16xf32>,
      %get3A_44 = arith.index_cast %add3A_17 : i32 to index
      %get3A_45 = arith.constant 144 : index
      %get3A_46 = tpu.vector_load %arg4[%get3A_44, %get3A_45] {strides = array<i32>} : memref<40x256xi32, #tpu.memory_space<vmem>>, vector<16xi32>,
      tpu.vector_store_idx %arg5[%get3A_46], %broadcast_in_dim3A_3 {add = true} : memref<10240xf32, #tpu.memory_space<vmem>>[vector<16xi32>], vector<16xf32>,
      %get3A_47 = arith.index_cast %add3A_17 : i32 to index
      %get3A_48 = arith.constant 160 : index
      %get3A_49 = tpu.vector_load %arg4[%get3A_47, %get3A_48] {strides = array<i32>} : memref<40x256xi32, #tpu.memory_space<vmem>>, vector<16xi32>,
      tpu.vector_store_idx %arg5[%get3A_49], %broadcast_in_dim3A_3 {add = true} : memref<10240xf32, #tpu.memory_space<vmem>>[vector<16xi32>], vector<16xf32>,
      %get3A_50 = arith.index_cast %add3A_17 : i32 to index
      %get3A_51 = arith.constant 176 : index
      %get3A_52 = tpu.vector_load %arg4[%get3A_50, %get3A_51] {strides = array<i32>} : memref<40x256xi32, #tpu.memory_space<vmem>>, vector<16xi32>,
      tpu.vector_store_idx %arg5[%get3A_52], %broadcast_in_dim3A_3 {add = true} : memref<10240xf32, #tpu.memory_space<vmem>>[vector<16xi32>], vector<16xf32>,
      %get3A_53 = arith.index_cast %add3A_17 : i32 to index
      %get3A_54 = arith.constant 192 : index
      %get3A_55 = tpu.vector_load %arg4[%get3A_53, %get3A_54] {strides = array<i32>} : memref<40x256xi32, #tpu.memory_space<vmem>>, vector<16xi32>,
      tpu.vector_store_idx %arg5[%get3A_55], %broadcast_in_dim3A_3 {add = true} : memref<10240xf32, #tpu.memory_space<vmem>>[vector<16xi32>], vector<16xf32>,
      %get3A_56 = arith.index_cast %add3A_17 : i32 to index
      %get3A_57 = arith.constant 208 : index
      %get3A_58 = tpu.vector_load %arg4[%get3A_56, %get3A_57] {strides = array<i32>} : memref<40x256xi32, #tpu.memory_space<vmem>>, vector<16xi32>,
      tpu.vector_store_idx %arg5[%get3A_58], %broadcast_in_dim3A_3 {add = true} : memref<10240xf32, #tpu.memory_space<vmem>>[vector<16xi32>], vector<16xf32>,
      %get3A_59 = arith.index_cast %add3A_17 : i32 to index
      %get3A_60 = arith.constant 224 : index
      %get3A_61 = tpu.vector_load %arg4[%get3A_59, %get3A_60] {strides = array<i32>} : memref<40x256xi32, #tpu.memory_space<vmem>>, vector<16xi32>,
      tpu.vector_store_idx %arg5[%get3A_61], %broadcast_in_dim3A_3 {add = true} : memref<10240xf32, #tpu.memory_space<vmem>>[vector<16xi32>], vector<16xf32>,
      %get3A_62 = arith.index_cast %add3A_17 : i32 to index
      %get3A_63 = arith.constant 240 : index
      %get3A_64 = tpu.vector_load %arg4[%get3A_62, %get3A_63] {strides = array<i32>} : memref<40x256xi32, #tpu.memory_space<vmem>>, vector<16xi32>,
      tpu.vector_store_idx %arg5[%get3A_64], %broadcast_in_dim3A_3 {add = true} : memref<10240xf32, #tpu.memory_space<vmem>>[vector<16xi32>], vector<16xf32>,
    }
    %scan3A_12 = arith.constant 40 : i32
    "tpu.region"() ({
      %run_scoped3A = tpu.sem_alloc : memref<!tpu.dma_semaphore, #tpu.memory_space<semaphore_mem>>
      %dma_start3A = arith.constant 0 : i32
      %dma_start3A_13 = tpu.memref_slice %arg3[%add3A, %dma_start3A] : memref<32x10240xf32, #tpu.memory_space<hbm>> -> memref<1x10240xf32, #tpu.memory_space<hbm>>
      %dma_start3A_14 = tpu.memref_squeeze %dma_start3A_13 : memref<1x10240xf32, #tpu.memory_space<hbm>> -> memref<10240xf32, #tpu.memory_space<hbm>>
      %dma_start3A_15 = arith.constant 0 : i32
      %dma_start3A_16 = tpu.memref_slice %arg3[%add3A, %dma_start3A_15] : memref<32x10240xf32, #tpu.memory_space<hbm>> -> memref<1x10240xf32, #tpu.memory_space<hbm>>
      %dma_start3A_17 = tpu.memref_squeeze %dma_start3A_16 : memref<1x10240xf32, #tpu.memory_space<hbm>> -> memref<10240xf32, #tpu.memory_space<hbm>>
      tpu.enqueue_dma source(%arg5 : memref<10240xf32, #tpu.memory_space<vmem>>) target(%dma_start3A_17 : memref<10240xf32, #tpu.memory_space<hbm>>) target_semaphore(%run_scoped3A : memref<!tpu.dma_semaphore, #tpu.memory_space<semaphore_mem>>)
      %dma_wait3A = arith.constant 0 : i32
      %dma_wait3A_18 = tpu.memref_slice %arg3[%add3A, %dma_wait3A] : memref<32x10240xf32, #tpu.memory_space<hbm>> -> memref<1x10240xf32, #tpu.memory_space<hbm>>
      %dma_wait3A_19 = tpu.memref_squeeze %dma_wait3A_18 : memref<1x10240xf32, #tpu.memory_space<hbm>> -> memref<10240xf32, #tpu.memory_space<hbm>>
      %dma_wait3A_20 = arith.constant 0 : i32
      %dma_wait3A_21 = tpu.memref_slice %arg3[%add3A, %dma_wait3A_20] : memref<32x10240xf32, #tpu.memory_space<hbm>> -> memref<1x10240xf32, #tpu.memory_space<hbm>>
      %dma_wait3A_22 = tpu.memref_squeeze %dma_wait3A_21 : memref<1x10240xf32, #tpu.memory_space<hbm>> -> memref<10240xf32, #tpu.memory_space<hbm>>
      tpu.wait_dma2 semaphore(%run_scoped3A : memref<!tpu.dma_semaphore, #tpu.memory_space<semaphore_mem>>) src(%arg5 : memref<10240xf32, #tpu.memory_space<vmem>>) dst(%dma_wait3A_22 : memref<10240xf32, #tpu.memory_space<hbm>>)
      tpu.yield
    }) : () -> ()
    return
  }
}

#map = affine_map<(d0, d1) -> (0, 0)>
#map1 = affine_map<(d0, d1) -> (0, 0, 0)>
module attributes {stable_mosaic.version = 14 : i64} {
  func.func @scat_kernel(%arg0: i32, %arg1: i32, %arg2: memref<10240x64xf32, #tpu.memory_space<hbm>>, %arg3: memref<32x40x256xi32, #tpu.memory_space<hbm>>, %arg4: memref<32x40x256xi32, #tpu.memory_space<hbm>>, %arg5: memref<2x10240x64xf32, #tpu.memory_space<hbm>>, %arg6: memref<40x256xi32, #tpu.memory_space<vmem>>, %arg7: memref<40x256xi32, #tpu.memory_space<vmem>>, %arg8: memref<256x64xf32, #tpu.memory_space<vmem>>, %arg9: memref<256x64xf32, #tpu.memory_space<vmem>>, %arg10: memref<256x64xf32, #tpu.memory_space<vmem>>, %arg11: memref<160x64xf32, #tpu.memory_space<vmem>>, %arg12: memref<10240x64xf32, #tpu.memory_space<vmem_shared>>, %arg13: memref<!tpu.dma_semaphore, #tpu.memory_space<semaphore_mem>>, %arg14: memref<!tpu.dma_semaphore, #tpu.memory_space<semaphore_mem>>, %arg15: memref<!tpu.dma_semaphore, #tpu.memory_space<semaphore_mem>>, %arg16: memref<!tpu.dma_semaphore, #tpu.memory_space<semaphore_mem>>, %arg17: memref<!tpu.dma_semaphore, #tpu.memory_space<semaphore_mem>>, %arg18: memref<!tpu.dma_semaphore, #tpu.memory_space<semaphore_mem>>) attributes {dimension_semantics = [#tpu.dimension_semantics<core_parallel>, #tpu.dimension_semantics<subcore_parallel>], iteration_bounds = array<i64: 2, 16>, scalar_prefetch = 0 : i64, scratch_operands = 13 : i64, tpu.core_type = #tpu.core_type<sc_vector_subcore>, window_params = [{transform_indices = #map}, {transform_indices = #map1}, {transform_indices = #map1}, {transform_indices = #map1}]} {
    %mul3A = arith.constant 2 : i32
    %mul3A_0 = arith.muli %arg1, %mul3A : i32
    %add3A = arith.addi %mul3A_0, %arg0 : i32
    %broadcast_in_dim3A = arith.constant 0.000000e+00 : f32
    %broadcast_in_dim3A_1 = vector.broadcast %broadcast_in_dim3A : f32 to vector<16xf32>
    %scan3A = arith.constant 0 : i32
    %scan3A_2 = arith.constant 160 : i32
    %scan3A_3 = arith.addi %scan3A, %scan3A_2 : i32
    %scan3A_4 = arith.constant 1 : i32
    scf.for %scan3A_58 = %scan3A to %scan3A_3 step %scan3A_4  : i32 {
      %mul3A_59 = arith.constant 1 : i32
      %mul3A_60 = arith.muli %scan3A_58, %mul3A_59 : i32
      %add3A_61 = arith.constant 0 : i32
      %add3A_62 = arith.addi %add3A_61, %mul3A_60 : i32
      %swap3A = arith.index_cast %add3A_62 : i32 to index
      %swap3A_63 = arith.constant 0 : index
      %swap3A_64 = tpu.vector_load %arg11[%swap3A, %swap3A_63] {strides = array<i32>} : memref<160x64xf32, #tpu.memory_space<vmem>>, vector<1x16xf32>,
      %swap3A_65 = vector.shape_cast %swap3A_64 : vector<1x16xf32> to vector<16xf32>
      %swap3A_66 = vector.shape_cast %broadcast_in_dim3A_1 : vector<16xf32> to vector<1x16xf32>
      tpu.vector_store %arg11[%swap3A, %swap3A_63], %swap3A_66 {strides = array<i32>} : memref<160x64xf32, #tpu.memory_space<vmem>>, vector<1x16xf32>,
      %swap3A_67 = arith.index_cast %add3A_62 : i32 to index
      %swap3A_68 = arith.constant 16 : index
      %swap3A_69 = tpu.vector_load %arg11[%swap3A_67, %swap3A_68] {strides = array<i32>} : memref<160x64xf32, #tpu.memory_space<vmem>>, vector<1x16xf32>,
      %swap3A_70 = vector.shape_cast %swap3A_69 : vector<1x16xf32> to vector<16xf32>
      %swap3A_71 = vector.shape_cast %broadcast_in_dim3A_1 : vector<16xf32> to vector<1x16xf32>
      tpu.vector_store %arg11[%swap3A_67, %swap3A_68], %swap3A_71 {strides = array<i32>} : memref<160x64xf32, #tpu.memory_space<vmem>>, vector<1x16xf32>,
      %swap3A_72 = arith.index_cast %add3A_62 : i32 to index
      %swap3A_73 = arith.constant 32 : index
      %swap3A_74 = tpu.vector_load %arg11[%swap3A_72, %swap3A_73] {strides = array<i32>} : memref<160x64xf32, #tpu.memory_space<vmem>>, vector<1x16xf32>,
      %swap3A_75 = vector.shape_cast %swap3A_74 : vector<1x16xf32> to vector<16xf32>
      %swap3A_76 = vector.shape_cast %broadcast_in_dim3A_1 : vector<16xf32> to vector<1x16xf32>
      tpu.vector_store %arg11[%swap3A_72, %swap3A_73], %swap3A_76 {strides = array<i32>} : memref<160x64xf32, #tpu.memory_space<vmem>>, vector<1x16xf32>,
      %swap3A_77 = arith.index_cast %add3A_62 : i32 to index
      %swap3A_78 = arith.constant 48 : index
      %swap3A_79 = tpu.vector_load %arg11[%swap3A_77, %swap3A_78] {strides = array<i32>} : memref<160x64xf32, #tpu.memory_space<vmem>>, vector<1x16xf32>,
      %swap3A_80 = vector.shape_cast %swap3A_79 : vector<1x16xf32> to vector<16xf32>
      %swap3A_81 = vector.shape_cast %broadcast_in_dim3A_1 : vector<16xf32> to vector<1x16xf32>
      tpu.vector_store %arg11[%swap3A_77, %swap3A_78], %swap3A_81 {strides = array<i32>} : memref<160x64xf32, #tpu.memory_space<vmem>>, vector<1x16xf32>,
    }
    %scan3A_5 = arith.constant 160 : i32
    %mul3A_6 = arith.constant 640 : i32
    %mul3A_7 = arith.muli %arg1, %mul3A_6 : i32
    %add3A_8 = arith.constant 0 : i32
    %add3A_9 = arith.addi %mul3A_7, %add3A_8 : i32
    "tpu.region"() ({
      %run_scoped3A_58 = tpu.sem_alloc : memref<!tpu.dma_semaphore, #tpu.memory_space<semaphore_mem>>
      %dma_start3A_59 = arith.constant 0 : i32
      %dma_start3A_60 = tpu.memref_slice %arg12[%add3A_9, %dma_start3A_59] : memref<10240x64xf32, #tpu.memory_space<vmem_shared>> -> memref<160x64xf32, #tpu.memory_space<vmem_shared>>
      %dma_start3A_61 = arith.constant 0 : i32
      %dma_start3A_62 = tpu.memref_slice %arg12[%add3A_9, %dma_start3A_61] : memref<10240x64xf32, #tpu.memory_space<vmem_shared>> -> memref<160x64xf32, #tpu.memory_space<vmem_shared>>
      tpu.enqueue_dma source(%arg11 : memref<160x64xf32, #tpu.memory_space<vmem>>) target(%dma_start3A_62 : memref<160x64xf32, #tpu.memory_space<vmem_shared>>) target_semaphore(%run_scoped3A_58 : memref<!tpu.dma_semaphore, #tpu.memory_space<semaphore_mem>>)
      %dma_wait3A_63 = arith.constant 0 : i32
      %dma_wait3A_64 = tpu.memref_slice %arg12[%add3A_9, %dma_wait3A_63] : memref<10240x64xf32, #tpu.memory_space<vmem_shared>> -> memref<160x64xf32, #tpu.memory_space<vmem_shared>>
      %dma_wait3A_65 = arith.constant 0 : i32
      %dma_wait3A_66 = tpu.memref_slice %arg12[%add3A_9, %dma_wait3A_65] : memref<10240x64xf32, #tpu.memory_space<vmem_shared>> -> memref<160x64xf32, #tpu.memory_space<vmem_shared>>
      tpu.wait_dma2 semaphore(%run_scoped3A_58 : memref<!tpu.dma_semaphore, #tpu.memory_space<semaphore_mem>>) src(%arg11 : memref<160x64xf32, #tpu.memory_space<vmem>>) dst(%dma_wait3A_66 : memref<160x64xf32, #tpu.memory_space<vmem_shared>>)
      tpu.yield
    }) : () -> ()
    %mul3A_10 = arith.constant 640 : i32
    %mul3A_11 = arith.muli %arg1, %mul3A_10 : i32
    %add3A_12 = arith.constant 160 : i32
    %add3A_13 = arith.addi %mul3A_11, %add3A_12 : i32
    "tpu.region"() ({
      %run_scoped3A_58 = tpu.sem_alloc : memref<!tpu.dma_semaphore, #tpu.memory_space<semaphore_mem>>
      %dma_start3A_59 = arith.constant 0 : i32
      %dma_start3A_60 = tpu.memref_slice %arg12[%add3A_13, %dma_start3A_59] : memref<10240x64xf32, #tpu.memory_space<vmem_shared>> -> memref<160x64xf32, #tpu.memory_space<vmem_shared>>
      %dma_start3A_61 = arith.constant 0 : i32
      %dma_start3A_62 = tpu.memref_slice %arg12[%add3A_13, %dma_start3A_61] : memref<10240x64xf32, #tpu.memory_space<vmem_shared>> -> memref<160x64xf32, #tpu.memory_space<vmem_shared>>
      tpu.enqueue_dma source(%arg11 : memref<160x64xf32, #tpu.memory_space<vmem>>) target(%dma_start3A_62 : memref<160x64xf32, #tpu.memory_space<vmem_shared>>) target_semaphore(%run_scoped3A_58 : memref<!tpu.dma_semaphore, #tpu.memory_space<semaphore_mem>>)
      %dma_wait3A_63 = arith.constant 0 : i32
      %dma_wait3A_64 = tpu.memref_slice %arg12[%add3A_13, %dma_wait3A_63] : memref<10240x64xf32, #tpu.memory_space<vmem_shared>> -> memref<160x64xf32, #tpu.memory_space<vmem_shared>>
      %dma_wait3A_65 = arith.constant 0 : i32
      %dma_wait3A_66 = tpu.memref_slice %arg12[%add3A_13, %dma_wait3A_65] : memref<10240x64xf32, #tpu.memory_space<vmem_shared>> -> memref<160x64xf32, #tpu.memory_space<vmem_shared>>
      tpu.wait_dma2 semaphore(%run_scoped3A_58 : memref<!tpu.dma_semaphore, #tpu.memory_space<semaphore_mem>>) src(%arg11 : memref<160x64xf32, #tpu.memory_space<vmem>>) dst(%dma_wait3A_66 : memref<160x64xf32, #tpu.memory_space<vmem_shared>>)
      tpu.yield
    }) : () -> ()
    %mul3A_14 = arith.constant 640 : i32
    %mul3A_15 = arith.muli %arg1, %mul3A_14 : i32
    %add3A_16 = arith.constant 320 : i32
    %add3A_17 = arith.addi %mul3A_15, %add3A_16 : i32
    "tpu.region"() ({
      %run_scoped3A_58 = tpu.sem_alloc : memref<!tpu.dma_semaphore, #tpu.memory_space<semaphore_mem>>
      %dma_start3A_59 = arith.constant 0 : i32
      %dma_start3A_60 = tpu.memref_slice %arg12[%add3A_17, %dma_start3A_59] : memref<10240x64xf32, #tpu.memory_space<vmem_shared>> -> memref<160x64xf32, #tpu.memory_space<vmem_shared>>
      %dma_start3A_61 = arith.constant 0 : i32
      %dma_start3A_62 = tpu.memref_slice %arg12[%add3A_17, %dma_start3A_61] : memref<10240x64xf32, #tpu.memory_space<vmem_shared>> -> memref<160x64xf32, #tpu.memory_space<vmem_shared>>
      tpu.enqueue_dma source(%arg11 : memref<160x64xf32, #tpu.memory_space<vmem>>) target(%dma_start3A_62 : memref<160x64xf32, #tpu.memory_space<vmem_shared>>) target_semaphore(%run_scoped3A_58 : memref<!tpu.dma_semaphore, #tpu.memory_space<semaphore_mem>>)
      %dma_wait3A_63 = arith.constant 0 : i32
      %dma_wait3A_64 = tpu.memref_slice %arg12[%add3A_17, %dma_wait3A_63] : memref<10240x64xf32, #tpu.memory_space<vmem_shared>> -> memref<160x64xf32, #tpu.memory_space<vmem_shared>>
      %dma_wait3A_65 = arith.constant 0 : i32
      %dma_wait3A_66 = tpu.memref_slice %arg12[%add3A_17, %dma_wait3A_65] : memref<10240x64xf32, #tpu.memory_space<vmem_shared>> -> memref<160x64xf32, #tpu.memory_space<vmem_shared>>
      tpu.wait_dma2 semaphore(%run_scoped3A_58 : memref<!tpu.dma_semaphore, #tpu.memory_space<semaphore_mem>>) src(%arg11 : memref<160x64xf32, #tpu.memory_space<vmem>>) dst(%dma_wait3A_66 : memref<160x64xf32, #tpu.memory_space<vmem_shared>>)
      tpu.yield
    }) : () -> ()
    %mul3A_18 = arith.constant 640 : i32
    %mul3A_19 = arith.muli %arg1, %mul3A_18 : i32
    %add3A_20 = arith.constant 480 : i32
    %add3A_21 = arith.addi %mul3A_19, %add3A_20 : i32
    "tpu.region"() ({
      %run_scoped3A_58 = tpu.sem_alloc : memref<!tpu.dma_semaphore, #tpu.memory_space<semaphore_mem>>
      %dma_start3A_59 = arith.constant 0 : i32
      %dma_start3A_60 = tpu.memref_slice %arg12[%add3A_21, %dma_start3A_59] : memref<10240x64xf32, #tpu.memory_space<vmem_shared>> -> memref<160x64xf32, #tpu.memory_space<vmem_shared>>
      %dma_start3A_61 = arith.constant 0 : i32
      %dma_start3A_62 = tpu.memref_slice %arg12[%add3A_21, %dma_start3A_61] : memref<10240x64xf32, #tpu.memory_space<vmem_shared>> -> memref<160x64xf32, #tpu.memory_space<vmem_shared>>
      tpu.enqueue_dma source(%arg11 : memref<160x64xf32, #tpu.memory_space<vmem>>) target(%dma_start3A_62 : memref<160x64xf32, #tpu.memory_space<vmem_shared>>) target_semaphore(%run_scoped3A_58 : memref<!tpu.dma_semaphore, #tpu.memory_space<semaphore_mem>>)
      %dma_wait3A_63 = arith.constant 0 : i32
      %dma_wait3A_64 = tpu.memref_slice %arg12[%add3A_21, %dma_wait3A_63] : memref<10240x64xf32, #tpu.memory_space<vmem_shared>> -> memref<160x64xf32, #tpu.memory_space<vmem_shared>>
      %dma_wait3A_65 = arith.constant 0 : i32
      %dma_wait3A_66 = tpu.memref_slice %arg12[%add3A_21, %dma_wait3A_65] : memref<10240x64xf32, #tpu.memory_space<vmem_shared>> -> memref<160x64xf32, #tpu.memory_space<vmem_shared>>
      tpu.wait_dma2 semaphore(%run_scoped3A_58 : memref<!tpu.dma_semaphore, #tpu.memory_space<semaphore_mem>>) src(%arg11 : memref<160x64xf32, #tpu.memory_space<vmem>>) dst(%dma_wait3A_66 : memref<160x64xf32, #tpu.memory_space<vmem_shared>>)
      tpu.yield
    }) : () -> ()
    %barrier3A = arith.constant 0 : index
    tpu.barrier barrier_id(%barrier3A)
    "tpu.region"() ({
      %run_scoped3A_58 = tpu.sem_alloc : memref<!tpu.dma_semaphore, #tpu.memory_space<semaphore_mem>>
      %dma_start3A_59 = arith.constant 0 : i32
      %dma_start3A_60 = arith.constant 0 : i32
      %dma_start3A_61 = tpu.memref_slice %arg3[%add3A, %dma_start3A_59, %dma_start3A_60] : memref<32x40x256xi32, #tpu.memory_space<hbm>> -> memref<1x40x256xi32, #tpu.memory_space<hbm>>
      %dma_start3A_62 = tpu.memref_squeeze %dma_start3A_61 : memref<1x40x256xi32, #tpu.memory_space<hbm>> -> memref<40x256xi32, #tpu.memory_space<hbm>>
      %dma_start3A_63 = arith.constant 0 : i32
      %dma_start3A_64 = arith.constant 0 : i32
      %dma_start3A_65 = tpu.memref_slice %arg3[%add3A, %dma_start3A_63, %dma_start3A_64] : memref<32x40x256xi32, #tpu.memory_space<hbm>> -> memref<1x40x256xi32, #tpu.memory_space<hbm>>
      %dma_start3A_66 = tpu.memref_squeeze %dma_start3A_65 : memref<1x40x256xi32, #tpu.memory_space<hbm>> -> memref<40x256xi32, #tpu.memory_space<hbm>>
      tpu.enqueue_dma source(%dma_start3A_66 : memref<40x256xi32, #tpu.memory_space<hbm>>) target(%arg6 : memref<40x256xi32, #tpu.memory_space<vmem>>) target_semaphore(%run_scoped3A_58 : memref<!tpu.dma_semaphore, #tpu.memory_space<semaphore_mem>>)
      %dma_wait3A_67 = arith.constant 0 : i32
      %dma_wait3A_68 = arith.constant 0 : i32
      %dma_wait3A_69 = tpu.memref_slice %arg3[%add3A, %dma_wait3A_67, %dma_wait3A_68] : memref<32x40x256xi32, #tpu.memory_space<hbm>> -> memref<1x40x256xi32, #tpu.memory_space<hbm>>
      %dma_wait3A_70 = tpu.memref_squeeze %dma_wait3A_69 : memref<1x40x256xi32, #tpu.memory_space<hbm>> -> memref<40x256xi32, #tpu.memory_space<hbm>>
      %dma_wait3A_71 = arith.constant 0 : i32
      %dma_wait3A_72 = arith.constant 0 : i32
      %dma_wait3A_73 = tpu.memref_slice %arg3[%add3A, %dma_wait3A_71, %dma_wait3A_72] : memref<32x40x256xi32, #tpu.memory_space<hbm>> -> memref<1x40x256xi32, #tpu.memory_space<hbm>>
      %dma_wait3A_74 = tpu.memref_squeeze %dma_wait3A_73 : memref<1x40x256xi32, #tpu.memory_space<hbm>> -> memref<40x256xi32, #tpu.memory_space<hbm>>
      tpu.wait_dma2 semaphore(%run_scoped3A_58 : memref<!tpu.dma_semaphore, #tpu.memory_space<semaphore_mem>>) src(%dma_wait3A_74 : memref<40x256xi32, #tpu.memory_space<hbm>>) dst(%arg6 : memref<40x256xi32, #tpu.memory_space<vmem>>)
      tpu.yield
    }) : () -> ()
    "tpu.region"() ({
      %run_scoped3A_58 = tpu.sem_alloc : memref<!tpu.dma_semaphore, #tpu.memory_space<semaphore_mem>>
      %dma_start3A_59 = arith.constant 0 : i32
      %dma_start3A_60 = arith.constant 0 : i32
      %dma_start3A_61 = tpu.memref_slice %arg4[%add3A, %dma_start3A_59, %dma_start3A_60] : memref<32x40x256xi32, #tpu.memory_space<hbm>> -> memref<1x40x256xi32, #tpu.memory_space<hbm>>
      %dma_start3A_62 = tpu.memref_squeeze %dma_start3A_61 : memref<1x40x256xi32, #tpu.memory_space<hbm>> -> memref<40x256xi32, #tpu.memory_space<hbm>>
      %dma_start3A_63 = arith.constant 0 : i32
      %dma_start3A_64 = arith.constant 0 : i32
      %dma_start3A_65 = tpu.memref_slice %arg4[%add3A, %dma_start3A_63, %dma_start3A_64] : memref<32x40x256xi32, #tpu.memory_space<hbm>> -> memref<1x40x256xi32, #tpu.memory_space<hbm>>
      %dma_start3A_66 = tpu.memref_squeeze %dma_start3A_65 : memref<1x40x256xi32, #tpu.memory_space<hbm>> -> memref<40x256xi32, #tpu.memory_space<hbm>>
      tpu.enqueue_dma source(%dma_start3A_66 : memref<40x256xi32, #tpu.memory_space<hbm>>) target(%arg7 : memref<40x256xi32, #tpu.memory_space<vmem>>) target_semaphore(%run_scoped3A_58 : memref<!tpu.dma_semaphore, #tpu.memory_space<semaphore_mem>>)
      %dma_wait3A_67 = arith.constant 0 : i32
      %dma_wait3A_68 = arith.constant 0 : i32
      %dma_wait3A_69 = tpu.memref_slice %arg4[%add3A, %dma_wait3A_67, %dma_wait3A_68] : memref<32x40x256xi32, #tpu.memory_space<hbm>> -> memref<1x40x256xi32, #tpu.memory_space<hbm>>
      %dma_wait3A_70 = tpu.memref_squeeze %dma_wait3A_69 : memref<1x40x256xi32, #tpu.memory_space<hbm>> -> memref<40x256xi32, #tpu.memory_space<hbm>>
      %dma_wait3A_71 = arith.constant 0 : i32
      %dma_wait3A_72 = arith.constant 0 : i32
      %dma_wait3A_73 = tpu.memref_slice %arg4[%add3A, %dma_wait3A_71, %dma_wait3A_72] : memref<32x40x256xi32, #tpu.memory_space<hbm>> -> memref<1x40x256xi32, #tpu.memory_space<hbm>>
      %dma_wait3A_74 = tpu.memref_squeeze %dma_wait3A_73 : memref<1x40x256xi32, #tpu.memory_space<hbm>> -> memref<40x256xi32, #tpu.memory_space<hbm>>
      tpu.wait_dma2 semaphore(%run_scoped3A_58 : memref<!tpu.dma_semaphore, #tpu.memory_space<semaphore_mem>>) src(%dma_wait3A_74 : memref<40x256xi32, #tpu.memory_space<hbm>>) dst(%arg7 : memref<40x256xi32, #tpu.memory_space<vmem>>)
      tpu.yield
    }) : () -> ()
    %dma_start3A = arith.constant 0 : i32
    %dma_start3A_22 = arith.constant 0 : i32
    %dma_start3A_23 = tpu.memref_slice %arg6[%dma_start3A, %dma_start3A_22] : memref<40x256xi32, #tpu.memory_space<vmem>> -> memref<1x256xi32, #tpu.memory_space<vmem>>
    %dma_start3A_24 = tpu.memref_squeeze %dma_start3A_23 : memref<1x256xi32, #tpu.memory_space<vmem>> -> memref<256xi32, #tpu.memory_space<vmem>>
    %dma_start3A_25 = arith.constant 0 : i32
    %dma_start3A_26 = arith.constant 0 : i32
    %dma_start3A_27 = tpu.memref_slice %arg2[%dma_start3A_25, %dma_start3A_26] : memref<10240x64xf32, #tpu.memory_space<hbm>> -> memref<10240x64xf32, #tpu.memory_space<hbm>>
    tpu.enqueue_indirect_dma source(%dma_start3A_27 : memref<10240x64xf32, #tpu.memory_space<hbm>>) target(%arg8 : memref<256x64xf32, #tpu.memory_space<vmem>>) offsets(%dma_start3A_24 : memref<256xi32, #tpu.memory_space<vmem>>) semaphore(%arg13 : memref<!tpu.dma_semaphore, #tpu.memory_space<semaphore_mem>>)
    %dma_start3A_28 = arith.constant 1 : i32
    %dma_start3A_29 = arith.constant 0 : i32
    %dma_start3A_30 = tpu.memref_slice %arg6[%dma_start3A_28, %dma_start3A_29] : memref<40x256xi32, #tpu.memory_space<vmem>> -> memref<1x256xi32, #tpu.memory_space<vmem>>
    %dma_start3A_31 = tpu.memref_squeeze %dma_start3A_30 : memref<1x256xi32, #tpu.memory_space<vmem>> -> memref<256xi32, #tpu.memory_space<vmem>>
    %dma_start3A_32 = arith.constant 0 : i32
    %dma_start3A_33 = arith.constant 0 : i32
    %dma_start3A_34 = tpu.memref_slice %arg2[%dma_start3A_32, %dma_start3A_33] : memref<10240x64xf32, #tpu.memory_space<hbm>> -> memref<10240x64xf32, #tpu.memory_space<hbm>>
    tpu.enqueue_indirect_dma source(%dma_start3A_34 : memref<10240x64xf32, #tpu.memory_space<hbm>>) target(%arg9 : memref<256x64xf32, #tpu.memory_space<vmem>>) offsets(%dma_start3A_31 : memref<256xi32, #tpu.memory_space<vmem>>) semaphore(%arg14 : memref<!tpu.dma_semaphore, #tpu.memory_space<semaphore_mem>>)
    %dma_start3A_35 = arith.constant 2 : i32
    %dma_start3A_36 = arith.constant 0 : i32
    %dma_start3A_37 = tpu.memref_slice %arg6[%dma_start3A_35, %dma_start3A_36] : memref<40x256xi32, #tpu.memory_space<vmem>> -> memref<1x256xi32, #tpu.memory_space<vmem>>
    %dma_start3A_38 = tpu.memref_squeeze %dma_start3A_37 : memref<1x256xi32, #tpu.memory_space<vmem>> -> memref<256xi32, #tpu.memory_space<vmem>>
    %dma_start3A_39 = arith.constant 0 : i32
    %dma_start3A_40 = arith.constant 0 : i32
    %dma_start3A_41 = tpu.memref_slice %arg2[%dma_start3A_39, %dma_start3A_40] : memref<10240x64xf32, #tpu.memory_space<hbm>> -> memref<10240x64xf32, #tpu.memory_space<hbm>>
    tpu.enqueue_indirect_dma source(%dma_start3A_41 : memref<10240x64xf32, #tpu.memory_space<hbm>>) target(%arg10 : memref<256x64xf32, #tpu.memory_space<vmem>>) offsets(%dma_start3A_38 : memref<256xi32, #tpu.memory_space<vmem>>) semaphore(%arg15 : memref<!tpu.dma_semaphore, #tpu.memory_space<semaphore_mem>>)
    %scan3A_42 = arith.constant 0 : i32
    %scan3A_43 = arith.constant 13 : i32
    %scan3A_44 = arith.addi %scan3A_42, %scan3A_43 : i32
    %scan3A_45 = arith.constant 1 : i32
    scf.for %scan3A_58 = %scan3A_42 to %scan3A_44 step %scan3A_45  : i32 {
      %mul3A_59 = arith.constant 1 : i32
      %mul3A_60 = arith.muli %scan3A_58, %mul3A_59 : i32
      %add3A_61 = arith.constant 0 : i32
      %add3A_62 = arith.addi %add3A_61, %mul3A_60 : i32
      %mul3A_63 = arith.constant 3 : i32
      %mul3A_64 = arith.muli %add3A_62, %mul3A_63 : i32
      %add3A_65 = arith.constant 0 : i32
      %add3A_66 = arith.addi %mul3A_64, %add3A_65 : i32
      %dma_wait3A_67 = arith.constant 0 : i32
      %dma_wait3A_68 = tpu.memref_slice %arg6[%add3A_66, %dma_wait3A_67] : memref<40x256xi32, #tpu.memory_space<vmem>> -> memref<1x256xi32, #tpu.memory_space<vmem>>
      %dma_wait3A_69 = tpu.memref_squeeze %dma_wait3A_68 : memref<1x256xi32, #tpu.memory_space<vmem>> -> memref<256xi32, #tpu.memory_space<vmem>>
      %dma_wait3A_70 = arith.constant 0 : i32
      %dma_wait3A_71 = arith.constant 0 : i32
      %dma_wait3A_72 = tpu.memref_slice %arg2[%dma_wait3A_70, %dma_wait3A_71] : memref<10240x64xf32, #tpu.memory_space<hbm>> -> memref<10240x64xf32, #tpu.memory_space<hbm>>
      tpu.wait_indirect_dma semaphore(%arg13 : memref<!tpu.dma_semaphore, #tpu.memory_space<semaphore_mem>>) src(%dma_wait3A_72 : memref<10240x64xf32, #tpu.memory_space<hbm>>) dst(%arg8 : memref<256x64xf32, #tpu.memory_space<vmem>>)
      %add3A_73 = arith.constant 0 : i32
      %add3A_74 = arith.addi %mul3A_64, %add3A_73 : i32
      %dma_start3A_75 = arith.constant 0 : i32
      %dma_start3A_76 = tpu.memref_slice %arg7[%add3A_74, %dma_start3A_75] : memref<40x256xi32, #tpu.memory_space<vmem>> -> memref<1x256xi32, #tpu.memory_space<vmem>>
      %dma_start3A_77 = tpu.memref_squeeze %dma_start3A_76 : memref<1x256xi32, #tpu.memory_space<vmem>> -> memref<256xi32, #tpu.memory_space<vmem>>
      %dma_start3A_78 = arith.constant 0 : i32
      %dma_start3A_79 = arith.constant 0 : i32
      %dma_start3A_80 = tpu.memref_slice %arg12[%dma_start3A_78, %dma_start3A_79] : memref<10240x64xf32, #tpu.memory_space<vmem_shared>> -> memref<10240x64xf32, #tpu.memory_space<vmem_shared>>
      tpu.enqueue_indirect_dma source(%arg8 : memref<256x64xf32, #tpu.memory_space<vmem>>) target(%dma_start3A_80 : memref<10240x64xf32, #tpu.memory_space<vmem_shared>>) offsets(%dma_start3A_77 : memref<256xi32, #tpu.memory_space<vmem>>) semaphore(%arg16 : memref<!tpu.dma_semaphore, #tpu.memory_space<semaphore_mem>>) {add = true}
      %add3A_81 = arith.constant 1 : i32
      %add3A_82 = arith.addi %mul3A_64, %add3A_81 : i32
      %dma_wait3A_83 = arith.constant 0 : i32
      %dma_wait3A_84 = tpu.memref_slice %arg6[%add3A_82, %dma_wait3A_83] : memref<40x256xi32, #tpu.memory_space<vmem>> -> memref<1x256xi32, #tpu.memory_space<vmem>>
      %dma_wait3A_85 = tpu.memref_squeeze %dma_wait3A_84 : memref<1x256xi32, #tpu.memory_space<vmem>> -> memref<256xi32, #tpu.memory_space<vmem>>
      %dma_wait3A_86 = arith.constant 0 : i32
      %dma_wait3A_87 = arith.constant 0 : i32
      %dma_wait3A_88 = tpu.memref_slice %arg2[%dma_wait3A_86, %dma_wait3A_87] : memref<10240x64xf32, #tpu.memory_space<hbm>> -> memref<10240x64xf32, #tpu.memory_space<hbm>>
      tpu.wait_indirect_dma semaphore(%arg14 : memref<!tpu.dma_semaphore, #tpu.memory_space<semaphore_mem>>) src(%dma_wait3A_88 : memref<10240x64xf32, #tpu.memory_space<hbm>>) dst(%arg9 : memref<256x64xf32, #tpu.memory_space<vmem>>)
      %add3A_89 = arith.constant 1 : i32
      %add3A_90 = arith.addi %mul3A_64, %add3A_89 : i32
      %dma_start3A_91 = arith.constant 0 : i32
      %dma_start3A_92 = tpu.memref_slice %arg7[%add3A_90, %dma_start3A_91] : memref<40x256xi32, #tpu.memory_space<vmem>> -> memref<1x256xi32, #tpu.memory_space<vmem>>
      %dma_start3A_93 = tpu.memref_squeeze %dma_start3A_92 : memref<1x256xi32, #tpu.memory_space<vmem>> -> memref<256xi32, #tpu.memory_space<vmem>>
      %dma_start3A_94 = arith.constant 0 : i32
      %dma_start3A_95 = arith.constant 0 : i32
      %dma_start3A_96 = tpu.memref_slice %arg12[%dma_start3A_94, %dma_start3A_95] : memref<10240x64xf32, #tpu.memory_space<vmem_shared>> -> memref<10240x64xf32, #tpu.memory_space<vmem_shared>>
      tpu.enqueue_indirect_dma source(%arg9 : memref<256x64xf32, #tpu.memory_space<vmem>>) target(%dma_start3A_96 : memref<10240x64xf32, #tpu.memory_space<vmem_shared>>) offsets(%dma_start3A_93 : memref<256xi32, #tpu.memory_space<vmem>>) semaphore(%arg17 : memref<!tpu.dma_semaphore, #tpu.memory_space<semaphore_mem>>) {add = true}
      %add3A_97 = arith.constant 2 : i32
      %add3A_98 = arith.addi %mul3A_64, %add3A_97 : i32
      %dma_wait3A_99 = arith.constant 0 : i32
      %dma_wait3A_100 = tpu.memref_slice %arg6[%add3A_98, %dma_wait3A_99] : memref<40x256xi32, #tpu.memory_space<vmem>> -> memref<1x256xi32, #tpu.memory_space<vmem>>
      %dma_wait3A_101 = tpu.memref_squeeze %dma_wait3A_100 : memref<1x256xi32, #tpu.memory_space<vmem>> -> memref<256xi32, #tpu.memory_space<vmem>>
      %dma_wait3A_102 = arith.constant 0 : i32
      %dma_wait3A_103 = arith.constant 0 : i32
      %dma_wait3A_104 = tpu.memref_slice %arg2[%dma_wait3A_102, %dma_wait3A_103] : memref<10240x64xf32, #tpu.memory_space<hbm>> -> memref<10240x64xf32, #tpu.memory_space<hbm>>
      tpu.wait_indirect_dma semaphore(%arg15 : memref<!tpu.dma_semaphore, #tpu.memory_space<semaphore_mem>>) src(%dma_wait3A_104 : memref<10240x64xf32, #tpu.memory_space<hbm>>) dst(%arg10 : memref<256x64xf32, #tpu.memory_space<vmem>>)
      %add3A_105 = arith.constant 2 : i32
      %add3A_106 = arith.addi %mul3A_64, %add3A_105 : i32
      %dma_start3A_107 = arith.constant 0 : i32
      %dma_start3A_108 = tpu.memref_slice %arg7[%add3A_106, %dma_start3A_107] : memref<40x256xi32, #tpu.memory_space<vmem>> -> memref<1x256xi32, #tpu.memory_space<vmem>>
      %dma_start3A_109 = tpu.memref_squeeze %dma_start3A_108 : memref<1x256xi32, #tpu.memory_space<vmem>> -> memref<256xi32, #tpu.memory_space<vmem>>
      %dma_start3A_110 = arith.constant 0 : i32
      %dma_start3A_111 = arith.constant 0 : i32
      %dma_start3A_112 = tpu.memref_slice %arg12[%dma_start3A_110, %dma_start3A_111] : memref<10240x64xf32, #tpu.memory_space<vmem_shared>> -> memref<10240x64xf32, #tpu.memory_space<vmem_shared>>
      tpu.enqueue_indirect_dma source(%arg10 : memref<256x64xf32, #tpu.memory_space<vmem>>) target(%dma_start3A_112 : memref<10240x64xf32, #tpu.memory_space<vmem_shared>>) offsets(%dma_start3A_109 : memref<256xi32, #tpu.memory_space<vmem>>) semaphore(%arg18 : memref<!tpu.dma_semaphore, #tpu.memory_space<semaphore_mem>>) {add = true}
      %add3A_113 = arith.constant 0 : i32
      %add3A_114 = arith.addi %mul3A_64, %add3A_113 : i32
      %dma_wait3A_115 = arith.constant 0 : i32
      %dma_wait3A_116 = tpu.memref_slice %arg7[%add3A_114, %dma_wait3A_115] : memref<40x256xi32, #tpu.memory_space<vmem>> -> memref<1x256xi32, #tpu.memory_space<vmem>>
      %dma_wait3A_117 = tpu.memref_squeeze %dma_wait3A_116 : memref<1x256xi32, #tpu.memory_space<vmem>> -> memref<256xi32, #tpu.memory_space<vmem>>
      %dma_wait3A_118 = arith.constant 0 : i32
      %dma_wait3A_119 = arith.constant 0 : i32
      %dma_wait3A_120 = tpu.memref_slice %arg12[%dma_wait3A_118, %dma_wait3A_119] : memref<10240x64xf32, #tpu.memory_space<vmem_shared>> -> memref<10240x64xf32, #tpu.memory_space<vmem_shared>>
      tpu.wait_indirect_dma semaphore(%arg16 : memref<!tpu.dma_semaphore, #tpu.memory_space<semaphore_mem>>) src(%arg8 : memref<256x64xf32, #tpu.memory_space<vmem>>) dst(%dma_wait3A_120 : memref<10240x64xf32, #tpu.memory_space<vmem_shared>>)
      %add3A_121 = arith.constant 3 : i32
      %add3A_122 = arith.addi %mul3A_64, %add3A_121 : i32
      %add3A_123 = arith.constant 0 : i32
      %add3A_124 = arith.addi %add3A_122, %add3A_123 : i32
      %lt3A = arith.constant 40 : i32
      %lt3A_125 = arith.cmpi slt, %add3A_124, %lt3A : i32
      %convert_element_type3A = arith.extui %lt3A_125 : i1 to i32
      %cond3A = arith.constant 0 : i32
      %cond3A_126 = arith.cmpi ne, %convert_element_type3A, %cond3A : i32
      scf.if %cond3A_126 {
        %add3A_161 = arith.constant 3 : i32
        %add3A_162 = arith.addi %mul3A_64, %add3A_161 : i32
        %add3A_163 = arith.constant 0 : i32
        %add3A_164 = arith.addi %add3A_162, %add3A_163 : i32
        %dma_start3A_165 = arith.constant 0 : i32
        %dma_start3A_166 = tpu.memref_slice %arg6[%add3A_164, %dma_start3A_165] : memref<40x256xi32, #tpu.memory_space<vmem>> -> memref<1x256xi32, #tpu.memory_space<vmem>>
        %dma_start3A_167 = tpu.memref_squeeze %dma_start3A_166 : memref<1x256xi32, #tpu.memory_space<vmem>> -> memref<256xi32, #tpu.memory_space<vmem>>
        %dma_start3A_168 = arith.constant 0 : i32
        %dma_start3A_169 = arith.constant 0 : i32
        %dma_start3A_170 = tpu.memref_slice %arg2[%dma_start3A_168, %dma_start3A_169] : memref<10240x64xf32, #tpu.memory_space<hbm>> -> memref<10240x64xf32, #tpu.memory_space<hbm>>
        tpu.enqueue_indirect_dma source(%dma_start3A_170 : memref<10240x64xf32, #tpu.memory_space<hbm>>) target(%arg8 : memref<256x64xf32, #tpu.memory_space<vmem>>) offsets(%dma_start3A_167 : memref<256xi32, #tpu.memory_space<vmem>>) semaphore(%arg13 : memref<!tpu.dma_semaphore, #tpu.memory_space<semaphore_mem>>)
      } else {
      }
      %add3A_127 = arith.constant 1 : i32
      %add3A_128 = arith.addi %mul3A_64, %add3A_127 : i32
      %dma_wait3A_129 = arith.constant 0 : i32
      %dma_wait3A_130 = tpu.memref_slice %arg7[%add3A_128, %dma_wait3A_129] : memref<40x256xi32, #tpu.memory_space<vmem>> -> memref<1x256xi32, #tpu.memory_space<vmem>>
      %dma_wait3A_131 = tpu.memref_squeeze %dma_wait3A_130 : memref<1x256xi32, #tpu.memory_space<vmem>> -> memref<256xi32, #tpu.memory_space<vmem>>
      %dma_wait3A_132 = arith.constant 0 : i32
      %dma_wait3A_133 = arith.constant 0 : i32
      %dma_wait3A_134 = tpu.memref_slice %arg12[%dma_wait3A_132, %dma_wait3A_133] : memref<10240x64xf32, #tpu.memory_space<vmem_shared>> -> memref<10240x64xf32, #tpu.memory_space<vmem_shared>>
      tpu.wait_indirect_dma semaphore(%arg17 : memref<!tpu.dma_semaphore, #tpu.memory_space<semaphore_mem>>) src(%arg9 : memref<256x64xf32, #tpu.memory_space<vmem>>) dst(%dma_wait3A_134 : memref<10240x64xf32, #tpu.memory_space<vmem_shared>>)
      %add3A_135 = arith.constant 3 : i32
      %add3A_136 = arith.addi %mul3A_64, %add3A_135 : i32
      %add3A_137 = arith.constant 1 : i32
      %add3A_138 = arith.addi %add3A_136, %add3A_137 : i32
      %lt3A_139 = arith.constant 40 : i32
      %lt3A_140 = arith.cmpi slt, %add3A_138, %lt3A_139 : i32
      %convert_element_type3A_141 = arith.extui %lt3A_140 : i1 to i32
      %cond3A_142 = arith.constant 0 : i32
      %cond3A_143 = arith.cmpi ne, %convert_element_type3A_141, %cond3A_142 : i32
      scf.if %cond3A_143 {
        %add3A_161 = arith.constant 3 : i32
        %add3A_162 = arith.addi %mul3A_64, %add3A_161 : i32
        %add3A_163 = arith.constant 1 : i32
        %add3A_164 = arith.addi %add3A_162, %add3A_163 : i32
        %dma_start3A_165 = arith.constant 0 : i32
        %dma_start3A_166 = tpu.memref_slice %arg6[%add3A_164, %dma_start3A_165] : memref<40x256xi32, #tpu.memory_space<vmem>> -> memref<1x256xi32, #tpu.memory_space<vmem>>
        %dma_start3A_167 = tpu.memref_squeeze %dma_start3A_166 : memref<1x256xi32, #tpu.memory_space<vmem>> -> memref<256xi32, #tpu.memory_space<vmem>>
        %dma_start3A_168 = arith.constant 0 : i32
        %dma_start3A_169 = arith.constant 0 : i32
        %dma_start3A_170 = tpu.memref_slice %arg2[%dma_start3A_168, %dma_start3A_169] : memref<10240x64xf32, #tpu.memory_space<hbm>> -> memref<10240x64xf32, #tpu.memory_space<hbm>>
        tpu.enqueue_indirect_dma source(%dma_start3A_170 : memref<10240x64xf32, #tpu.memory_space<hbm>>) target(%arg9 : memref<256x64xf32, #tpu.memory_space<vmem>>) offsets(%dma_start3A_167 : memref<256xi32, #tpu.memory_space<vmem>>) semaphore(%arg14 : memref<!tpu.dma_semaphore, #tpu.memory_space<semaphore_mem>>)
      } else {
      }
      %add3A_144 = arith.constant 2 : i32
      %add3A_145 = arith.addi %mul3A_64, %add3A_144 : i32
      %dma_wait3A_146 = arith.constant 0 : i32
      %dma_wait3A_147 = tpu.memref_slice %arg7[%add3A_145, %dma_wait3A_146] : memref<40x256xi32, #tpu.memory_space<vmem>> -> memref<1x256xi32, #tpu.memory_space<vmem>>
      %dma_wait3A_148 = tpu.memref_squeeze %dma_wait3A_147 : memref<1x256xi32, #tpu.memory_space<vmem>> -> memref<256xi32, #tpu.memory_space<vmem>>
      %dma_wait3A_149 = arith.constant 0 : i32
      %dma_wait3A_150 = arith.constant 0 : i32
      %dma_wait3A_151 = tpu.memref_slice %arg12[%dma_wait3A_149, %dma_wait3A_150] : memref<10240x64xf32, #tpu.memory_space<vmem_shared>> -> memref<10240x64xf32, #tpu.memory_space<vmem_shared>>
      tpu.wait_indirect_dma semaphore(%arg18 : memref<!tpu.dma_semaphore, #tpu.memory_space<semaphore_mem>>) src(%arg10 : memref<256x64xf32, #tpu.memory_space<vmem>>) dst(%dma_wait3A_151 : memref<10240x64xf32, #tpu.memory_space<vmem_shared>>)
      %add3A_152 = arith.constant 3 : i32
      %add3A_153 = arith.addi %mul3A_64, %add3A_152 : i32
      %add3A_154 = arith.constant 2 : i32
      %add3A_155 = arith.addi %add3A_153, %add3A_154 : i32
      %lt3A_156 = arith.constant 40 : i32
      %lt3A_157 = arith.cmpi slt, %add3A_155, %lt3A_156 : i32
      %convert_element_type3A_158 = arith.extui %lt3A_157 : i1 to i32
      %cond3A_159 = arith.constant 0 : i32
      %cond3A_160 = arith.cmpi ne, %convert_element_type3A_158, %cond3A_159 : i32
      scf.if %cond3A_160 {
        %add3A_161 = arith.constant 3 : i32
        %add3A_162 = arith.addi %mul3A_64, %add3A_161 : i32
        %add3A_163 = arith.constant 2 : i32
        %add3A_164 = arith.addi %add3A_162, %add3A_163 : i32
        %dma_start3A_165 = arith.constant 0 : i32
        %dma_start3A_166 = tpu.memref_slice %arg6[%add3A_164, %dma_start3A_165] : memref<40x256xi32, #tpu.memory_space<vmem>> -> memref<1x256xi32, #tpu.memory_space<vmem>>
        %dma_start3A_167 = tpu.memref_squeeze %dma_start3A_166 : memref<1x256xi32, #tpu.memory_space<vmem>> -> memref<256xi32, #tpu.memory_space<vmem>>
        %dma_start3A_168 = arith.constant 0 : i32
        %dma_start3A_169 = arith.constant 0 : i32
        %dma_start3A_170 = tpu.memref_slice %arg2[%dma_start3A_168, %dma_start3A_169] : memref<10240x64xf32, #tpu.memory_space<hbm>> -> memref<10240x64xf32, #tpu.memory_space<hbm>>
        tpu.enqueue_indirect_dma source(%dma_start3A_170 : memref<10240x64xf32, #tpu.memory_space<hbm>>) target(%arg10 : memref<256x64xf32, #tpu.memory_space<vmem>>) offsets(%dma_start3A_167 : memref<256xi32, #tpu.memory_space<vmem>>) semaphore(%arg15 : memref<!tpu.dma_semaphore, #tpu.memory_space<semaphore_mem>>)
      } else {
      }
    }
    %scan3A_46 = arith.constant 13 : i32
    %dma_wait3A = arith.constant 39 : i32
    %dma_wait3A_47 = arith.constant 0 : i32
    %dma_wait3A_48 = tpu.memref_slice %arg6[%dma_wait3A, %dma_wait3A_47] : memref<40x256xi32, #tpu.memory_space<vmem>> -> memref<1x256xi32, #tpu.memory_space<vmem>>
    %dma_wait3A_49 = tpu.memref_squeeze %dma_wait3A_48 : memref<1x256xi32, #tpu.memory_space<vmem>> -> memref<256xi32, #tpu.memory_space<vmem>>
    %dma_wait3A_50 = arith.constant 0 : i32
    %dma_wait3A_51 = arith.constant 0 : i32
    %dma_wait3A_52 = tpu.memref_slice %arg2[%dma_wait3A_50, %dma_wait3A_51] : memref<10240x64xf32, #tpu.memory_space<hbm>> -> memref<10240x64xf32, #tpu.memory_space<hbm>>
    tpu.wait_indirect_dma semaphore(%arg13 : memref<!tpu.dma_semaphore, #tpu.memory_space<semaphore_mem>>) src(%dma_wait3A_52 : memref<10240x64xf32, #tpu.memory_space<hbm>>) dst(%arg8 : memref<256x64xf32, #tpu.memory_space<vmem>>)
    %run_scoped3A = arith.constant 39 : i32
    "tpu.region"() ({
      %run_scoped3A_58 = tpu.sem_alloc : memref<!tpu.dma_semaphore, #tpu.memory_space<semaphore_mem>>
      %dma_start3A_59 = arith.constant 0 : i32
      %dma_start3A_60 = tpu.memref_slice %arg7[%run_scoped3A, %dma_start3A_59] : memref<40x256xi32, #tpu.memory_space<vmem>> -> memref<1x256xi32, #tpu.memory_space<vmem>>
      %dma_start3A_61 = tpu.memref_squeeze %dma_start3A_60 : memref<1x256xi32, #tpu.memory_space<vmem>> -> memref<256xi32, #tpu.memory_space<vmem>>
      %dma_start3A_62 = arith.constant 0 : i32
      %dma_start3A_63 = arith.constant 0 : i32
      %dma_start3A_64 = tpu.memref_slice %arg12[%dma_start3A_62, %dma_start3A_63] : memref<10240x64xf32, #tpu.memory_space<vmem_shared>> -> memref<10240x64xf32, #tpu.memory_space<vmem_shared>>
      tpu.enqueue_indirect_dma source(%arg8 : memref<256x64xf32, #tpu.memory_space<vmem>>) target(%dma_start3A_64 : memref<10240x64xf32, #tpu.memory_space<vmem_shared>>) offsets(%dma_start3A_61 : memref<256xi32, #tpu.memory_space<vmem>>) semaphore(%run_scoped3A_58 : memref<!tpu.dma_semaphore, #tpu.memory_space<semaphore_mem>>) {add = true}
      %dma_wait3A_65 = arith.constant 0 : i32
      %dma_wait3A_66 = tpu.memref_slice %arg7[%run_scoped3A, %dma_wait3A_65] : memref<40x256xi32, #tpu.memory_space<vmem>> -> memref<1x256xi32, #tpu.memory_space<vmem>>
      %dma_wait3A_67 = tpu.memref_squeeze %dma_wait3A_66 : memref<1x256xi32, #tpu.memory_space<vmem>> -> memref<256xi32, #tpu.memory_space<vmem>>
      %dma_wait3A_68 = arith.constant 0 : i32
      %dma_wait3A_69 = arith.constant 0 : i32
      %dma_wait3A_70 = tpu.memref_slice %arg12[%dma_wait3A_68, %dma_wait3A_69] : memref<10240x64xf32, #tpu.memory_space<vmem_shared>> -> memref<10240x64xf32, #tpu.memory_space<vmem_shared>>
      tpu.wait_indirect_dma semaphore(%run_scoped3A_58 : memref<!tpu.dma_semaphore, #tpu.memory_space<semaphore_mem>>) src(%arg8 : memref<256x64xf32, #tpu.memory_space<vmem>>) dst(%dma_wait3A_70 : memref<10240x64xf32, #tpu.memory_space<vmem_shared>>)
      tpu.yield
    }) : () -> ()
    %barrier3A_53 = arith.constant 0 : index
    tpu.barrier barrier_id(%barrier3A_53)
    %mul3A_54 = arith.constant 640 : i32
    %mul3A_55 = arith.muli %arg1, %mul3A_54 : i32
    %mul3A_56 = arith.constant 640 : i32
    %mul3A_57 = arith.muli %arg1, %mul3A_56 : i32
    "tpu.region"() ({
      %run_scoped3A_58 = tpu.sem_alloc : memref<!tpu.dma_semaphore, #tpu.memory_space<semaphore_mem>>
      %dma_start3A_59 = arith.constant 0 : i32
      %dma_start3A_60 = tpu.memref_slice %arg5[%arg0, %mul3A_57, %dma_start3A_59] : memref<2x10240x64xf32, #tpu.memory_space<hbm>> -> memref<1x640x64xf32, #tpu.memory_space<hbm>>
      %dma_start3A_61 = tpu.memref_squeeze %dma_start3A_60 : memref<1x640x64xf32, #tpu.memory_space<hbm>> -> memref<640x64xf32, #tpu.memory_space<hbm>>
      %dma_start3A_62 = arith.constant 0 : i32
      %dma_start3A_63 = tpu.memref_slice %arg12[%mul3A_55, %dma_start3A_62] : memref<10240x64xf32, #tpu.memory_space<vmem_shared>> -> memref<640x64xf32, #tpu.memory_space<vmem_shared>>
      tpu.enqueue_dma source(%dma_start3A_63 : memref<640x64xf32, #tpu.memory_space<vmem_shared>>) target(%dma_start3A_61 : memref<640x64xf32, #tpu.memory_space<hbm>>) target_semaphore(%run_scoped3A_58 : memref<!tpu.dma_semaphore, #tpu.memory_space<semaphore_mem>>)
      %dma_wait3A_64 = arith.constant 0 : i32
      %dma_wait3A_65 = tpu.memref_slice %arg5[%arg0, %mul3A_57, %dma_wait3A_64] : memref<2x10240x64xf32, #tpu.memory_space<hbm>> -> memref<1x640x64xf32, #tpu.memory_space<hbm>>
      %dma_wait3A_66 = tpu.memref_squeeze %dma_wait3A_65 : memref<1x640x64xf32, #tpu.memory_space<hbm>> -> memref<640x64xf32, #tpu.memory_space<hbm>>
      %dma_wait3A_67 = arith.constant 0 : i32
      %dma_wait3A_68 = tpu.memref_slice %arg12[%mul3A_55, %dma_wait3A_67] : memref<10240x64xf32, #tpu.memory_space<vmem_shared>> -> memref<640x64xf32, #tpu.memory_space<vmem_shared>>
      tpu.wait_dma2 semaphore(%run_scoped3A_58 : memref<!tpu.dma_semaphore, #tpu.memory_space<semaphore_mem>>) src(%dma_wait3A_68 : memref<640x64xf32, #tpu.memory_space<vmem_shared>>) dst(%dma_wait3A_66 : memref<640x64xf32, #tpu.memory_space<hbm>>)
      tpu.yield
    }) : () -> ()
    return
  }
}

#map = affine_map<(d0, d1) -> (0, 0)>
#map1 = affine_map<(d0, d1) -> (0, 0, 0)>
module attributes {stable_mosaic.version = 14 : i64} {
  func.func @scat_kernel(%arg0: i32, %arg1: i32, %arg2: memref<10240x64xf32, #tpu.memory_space<hbm>>, %arg3: memref<32x40x256xi32, #tpu.memory_space<hbm>>, %arg4: memref<32x40x256xi32, #tpu.memory_space<hbm>>, %arg5: memref<2x10240x64xf32, #tpu.memory_space<hbm>>, %arg6: memref<40x256xi32, #tpu.memory_space<vmem>>, %arg7: memref<40x256xi32, #tpu.memory_space<vmem>>, %arg8: memref<256x64xf32, #tpu.memory_space<vmem>>, %arg9: memref<256x64xf32, #tpu.memory_space<vmem>>, %arg10: memref<256x64xf32, #tpu.memory_space<vmem>>, %arg11: memref<160x64xf32, #tpu.memory_space<vmem>>, %arg12: memref<10240x64xf32, #tpu.memory_space<vmem_shared>>, %arg13: memref<!tpu.dma_semaphore, #tpu.memory_space<semaphore_mem>>, %arg14: memref<!tpu.dma_semaphore, #tpu.memory_space<semaphore_mem>>, %arg15: memref<!tpu.dma_semaphore, #tpu.memory_space<semaphore_mem>>, %arg16: memref<!tpu.dma_semaphore, #tpu.memory_space<semaphore_mem>>, %arg17: memref<!tpu.dma_semaphore, #tpu.memory_space<semaphore_mem>>, %arg18: memref<!tpu.dma_semaphore, #tpu.memory_space<semaphore_mem>>) attributes {dimension_semantics = [#tpu.dimension_semantics<core_parallel>, #tpu.dimension_semantics<subcore_parallel>], iteration_bounds = array<i64: 2, 16>, scalar_prefetch = 0 : i64, scratch_operands = 13 : i64, tpu.core_type = #tpu.core_type<sc_vector_subcore>, window_params = [{transform_indices = #map}, {transform_indices = #map1}, {transform_indices = #map1}, {transform_indices = #map1}]} {
    %mul3A = arith.constant 2 : i32
    %mul3A_0 = arith.muli %arg1, %mul3A : i32
    %add3A = arith.addi %mul3A_0, %arg0 : i32
    %broadcast_in_dim3A = arith.constant 0.000000e+00 : f32
    %broadcast_in_dim3A_1 = vector.broadcast %broadcast_in_dim3A : f32 to vector<16xf32>
    %scan3A = arith.constant 0 : i32
    %scan3A_2 = arith.constant 160 : i32
    %scan3A_3 = arith.addi %scan3A, %scan3A_2 : i32
    %scan3A_4 = arith.constant 1 : i32
    scf.for %scan3A_58 = %scan3A to %scan3A_3 step %scan3A_4  : i32 {
      %mul3A_59 = arith.constant 1 : i32
      %mul3A_60 = arith.muli %scan3A_58, %mul3A_59 : i32
      %add3A_61 = arith.constant 0 : i32
      %add3A_62 = arith.addi %add3A_61, %mul3A_60 : i32
      %swap3A = arith.index_cast %add3A_62 : i32 to index
      %swap3A_63 = arith.constant 0 : index
      %swap3A_64 = tpu.vector_load %arg11[%swap3A, %swap3A_63] {strides = array<i32>} : memref<160x64xf32, #tpu.memory_space<vmem>>, vector<1x16xf32>,
      %swap3A_65 = vector.shape_cast %swap3A_64 : vector<1x16xf32> to vector<16xf32>
      %swap3A_66 = vector.shape_cast %broadcast_in_dim3A_1 : vector<16xf32> to vector<1x16xf32>
      tpu.vector_store %arg11[%swap3A, %swap3A_63], %swap3A_66 {strides = array<i32>} : memref<160x64xf32, #tpu.memory_space<vmem>>, vector<1x16xf32>,
      %swap3A_67 = arith.index_cast %add3A_62 : i32 to index
      %swap3A_68 = arith.constant 16 : index
      %swap3A_69 = tpu.vector_load %arg11[%swap3A_67, %swap3A_68] {strides = array<i32>} : memref<160x64xf32, #tpu.memory_space<vmem>>, vector<1x16xf32>,
      %swap3A_70 = vector.shape_cast %swap3A_69 : vector<1x16xf32> to vector<16xf32>
      %swap3A_71 = vector.shape_cast %broadcast_in_dim3A_1 : vector<16xf32> to vector<1x16xf32>
      tpu.vector_store %arg11[%swap3A_67, %swap3A_68], %swap3A_71 {strides = array<i32>} : memref<160x64xf32, #tpu.memory_space<vmem>>, vector<1x16xf32>,
      %swap3A_72 = arith.index_cast %add3A_62 : i32 to index
      %swap3A_73 = arith.constant 32 : index
      %swap3A_74 = tpu.vector_load %arg11[%swap3A_72, %swap3A_73] {strides = array<i32>} : memref<160x64xf32, #tpu.memory_space<vmem>>, vector<1x16xf32>,
      %swap3A_75 = vector.shape_cast %swap3A_74 : vector<1x16xf32> to vector<16xf32>
      %swap3A_76 = vector.shape_cast %broadcast_in_dim3A_1 : vector<16xf32> to vector<1x16xf32>
      tpu.vector_store %arg11[%swap3A_72, %swap3A_73], %swap3A_76 {strides = array<i32>} : memref<160x64xf32, #tpu.memory_space<vmem>>, vector<1x16xf32>,
      %swap3A_77 = arith.index_cast %add3A_62 : i32 to index
      %swap3A_78 = arith.constant 48 : index
      %swap3A_79 = tpu.vector_load %arg11[%swap3A_77, %swap3A_78] {strides = array<i32>} : memref<160x64xf32, #tpu.memory_space<vmem>>, vector<1x16xf32>,
      %swap3A_80 = vector.shape_cast %swap3A_79 : vector<1x16xf32> to vector<16xf32>
      %swap3A_81 = vector.shape_cast %broadcast_in_dim3A_1 : vector<16xf32> to vector<1x16xf32>
      tpu.vector_store %arg11[%swap3A_77, %swap3A_78], %swap3A_81 {strides = array<i32>} : memref<160x64xf32, #tpu.memory_space<vmem>>, vector<1x16xf32>,
    }
    %scan3A_5 = arith.constant 160 : i32
    %mul3A_6 = arith.constant 640 : i32
    %mul3A_7 = arith.muli %arg1, %mul3A_6 : i32
    %add3A_8 = arith.constant 0 : i32
    %add3A_9 = arith.addi %mul3A_7, %add3A_8 : i32
    "tpu.region"() ({
      %run_scoped3A_58 = tpu.sem_alloc : memref<!tpu.dma_semaphore, #tpu.memory_space<semaphore_mem>>
      %dma_start3A_59 = arith.constant 0 : i32
      %dma_start3A_60 = tpu.memref_slice %arg12[%add3A_9, %dma_start3A_59] : memref<10240x64xf32, #tpu.memory_space<vmem_shared>> -> memref<160x64xf32, #tpu.memory_space<vmem_shared>>
      %dma_start3A_61 = arith.constant 0 : i32
      %dma_start3A_62 = tpu.memref_slice %arg12[%add3A_9, %dma_start3A_61] : memref<10240x64xf32, #tpu.memory_space<vmem_shared>> -> memref<160x64xf32, #tpu.memory_space<vmem_shared>>
      tpu.enqueue_dma source(%arg11 : memref<160x64xf32, #tpu.memory_space<vmem>>) target(%dma_start3A_62 : memref<160x64xf32, #tpu.memory_space<vmem_shared>>) target_semaphore(%run_scoped3A_58 : memref<!tpu.dma_semaphore, #tpu.memory_space<semaphore_mem>>)
      %dma_wait3A_63 = arith.constant 0 : i32
      %dma_wait3A_64 = tpu.memref_slice %arg12[%add3A_9, %dma_wait3A_63] : memref<10240x64xf32, #tpu.memory_space<vmem_shared>> -> memref<160x64xf32, #tpu.memory_space<vmem_shared>>
      %dma_wait3A_65 = arith.constant 0 : i32
      %dma_wait3A_66 = tpu.memref_slice %arg12[%add3A_9, %dma_wait3A_65] : memref<10240x64xf32, #tpu.memory_space<vmem_shared>> -> memref<160x64xf32, #tpu.memory_space<vmem_shared>>
      tpu.wait_dma2 semaphore(%run_scoped3A_58 : memref<!tpu.dma_semaphore, #tpu.memory_space<semaphore_mem>>) src(%arg11 : memref<160x64xf32, #tpu.memory_space<vmem>>) dst(%dma_wait3A_66 : memref<160x64xf32, #tpu.memory_space<vmem_shared>>)
      tpu.yield
    }) : () -> ()
    %mul3A_10 = arith.constant 640 : i32
    %mul3A_11 = arith.muli %arg1, %mul3A_10 : i32
    %add3A_12 = arith.constant 160 : i32
    %add3A_13 = arith.addi %mul3A_11, %add3A_12 : i32
    "tpu.region"() ({
      %run_scoped3A_58 = tpu.sem_alloc : memref<!tpu.dma_semaphore, #tpu.memory_space<semaphore_mem>>
      %dma_start3A_59 = arith.constant 0 : i32
      %dma_start3A_60 = tpu.memref_slice %arg12[%add3A_13, %dma_start3A_59] : memref<10240x64xf32, #tpu.memory_space<vmem_shared>> -> memref<160x64xf32, #tpu.memory_space<vmem_shared>>
      %dma_start3A_61 = arith.constant 0 : i32
      %dma_start3A_62 = tpu.memref_slice %arg12[%add3A_13, %dma_start3A_61] : memref<10240x64xf32, #tpu.memory_space<vmem_shared>> -> memref<160x64xf32, #tpu.memory_space<vmem_shared>>
      tpu.enqueue_dma source(%arg11 : memref<160x64xf32, #tpu.memory_space<vmem>>) target(%dma_start3A_62 : memref<160x64xf32, #tpu.memory_space<vmem_shared>>) target_semaphore(%run_scoped3A_58 : memref<!tpu.dma_semaphore, #tpu.memory_space<semaphore_mem>>)
      %dma_wait3A_63 = arith.constant 0 : i32
      %dma_wait3A_64 = tpu.memref_slice %arg12[%add3A_13, %dma_wait3A_63] : memref<10240x64xf32, #tpu.memory_space<vmem_shared>> -> memref<160x64xf32, #tpu.memory_space<vmem_shared>>
      %dma_wait3A_65 = arith.constant 0 : i32
      %dma_wait3A_66 = tpu.memref_slice %arg12[%add3A_13, %dma_wait3A_65] : memref<10240x64xf32, #tpu.memory_space<vmem_shared>> -> memref<160x64xf32, #tpu.memory_space<vmem_shared>>
      tpu.wait_dma2 semaphore(%run_scoped3A_58 : memref<!tpu.dma_semaphore, #tpu.memory_space<semaphore_mem>>) src(%arg11 : memref<160x64xf32, #tpu.memory_space<vmem>>) dst(%dma_wait3A_66 : memref<160x64xf32, #tpu.memory_space<vmem_shared>>)
      tpu.yield
    }) : () -> ()
    %mul3A_14 = arith.constant 640 : i32
    %mul3A_15 = arith.muli %arg1, %mul3A_14 : i32
    %add3A_16 = arith.constant 320 : i32
    %add3A_17 = arith.addi %mul3A_15, %add3A_16 : i32
    "tpu.region"() ({
      %run_scoped3A_58 = tpu.sem_alloc : memref<!tpu.dma_semaphore, #tpu.memory_space<semaphore_mem>>
      %dma_start3A_59 = arith.constant 0 : i32
      %dma_start3A_60 = tpu.memref_slice %arg12[%add3A_17, %dma_start3A_59] : memref<10240x64xf32, #tpu.memory_space<vmem_shared>> -> memref<160x64xf32, #tpu.memory_space<vmem_shared>>
      %dma_start3A_61 = arith.constant 0 : i32
      %dma_start3A_62 = tpu.memref_slice %arg12[%add3A_17, %dma_start3A_61] : memref<10240x64xf32, #tpu.memory_space<vmem_shared>> -> memref<160x64xf32, #tpu.memory_space<vmem_shared>>
      tpu.enqueue_dma source(%arg11 : memref<160x64xf32, #tpu.memory_space<vmem>>) target(%dma_start3A_62 : memref<160x64xf32, #tpu.memory_space<vmem_shared>>) target_semaphore(%run_scoped3A_58 : memref<!tpu.dma_semaphore, #tpu.memory_space<semaphore_mem>>)
      %dma_wait3A_63 = arith.constant 0 : i32
      %dma_wait3A_64 = tpu.memref_slice %arg12[%add3A_17, %dma_wait3A_63] : memref<10240x64xf32, #tpu.memory_space<vmem_shared>> -> memref<160x64xf32, #tpu.memory_space<vmem_shared>>
      %dma_wait3A_65 = arith.constant 0 : i32
      %dma_wait3A_66 = tpu.memref_slice %arg12[%add3A_17, %dma_wait3A_65] : memref<10240x64xf32, #tpu.memory_space<vmem_shared>> -> memref<160x64xf32, #tpu.memory_space<vmem_shared>>
      tpu.wait_dma2 semaphore(%run_scoped3A_58 : memref<!tpu.dma_semaphore, #tpu.memory_space<semaphore_mem>>) src(%arg11 : memref<160x64xf32, #tpu.memory_space<vmem>>) dst(%dma_wait3A_66 : memref<160x64xf32, #tpu.memory_space<vmem_shared>>)
      tpu.yield
    }) : () -> ()
    %mul3A_18 = arith.constant 640 : i32
    %mul3A_19 = arith.muli %arg1, %mul3A_18 : i32
    %add3A_20 = arith.constant 480 : i32
    %add3A_21 = arith.addi %mul3A_19, %add3A_20 : i32
    "tpu.region"() ({
      %run_scoped3A_58 = tpu.sem_alloc : memref<!tpu.dma_semaphore, #tpu.memory_space<semaphore_mem>>
      %dma_start3A_59 = arith.constant 0 : i32
      %dma_start3A_60 = tpu.memref_slice %arg12[%add3A_21, %dma_start3A_59] : memref<10240x64xf32, #tpu.memory_space<vmem_shared>> -> memref<160x64xf32, #tpu.memory_space<vmem_shared>>
      %dma_start3A_61 = arith.constant 0 : i32
      %dma_start3A_62 = tpu.memref_slice %arg12[%add3A_21, %dma_start3A_61] : memref<10240x64xf32, #tpu.memory_space<vmem_shared>> -> memref<160x64xf32, #tpu.memory_space<vmem_shared>>
      tpu.enqueue_dma source(%arg11 : memref<160x64xf32, #tpu.memory_space<vmem>>) target(%dma_start3A_62 : memref<160x64xf32, #tpu.memory_space<vmem_shared>>) target_semaphore(%run_scoped3A_58 : memref<!tpu.dma_semaphore, #tpu.memory_space<semaphore_mem>>)
      %dma_wait3A_63 = arith.constant 0 : i32
      %dma_wait3A_64 = tpu.memref_slice %arg12[%add3A_21, %dma_wait3A_63] : memref<10240x64xf32, #tpu.memory_space<vmem_shared>> -> memref<160x64xf32, #tpu.memory_space<vmem_shared>>
      %dma_wait3A_65 = arith.constant 0 : i32
      %dma_wait3A_66 = tpu.memref_slice %arg12[%add3A_21, %dma_wait3A_65] : memref<10240x64xf32, #tpu.memory_space<vmem_shared>> -> memref<160x64xf32, #tpu.memory_space<vmem_shared>>
      tpu.wait_dma2 semaphore(%run_scoped3A_58 : memref<!tpu.dma_semaphore, #tpu.memory_space<semaphore_mem>>) src(%arg11 : memref<160x64xf32, #tpu.memory_space<vmem>>) dst(%dma_wait3A_66 : memref<160x64xf32, #tpu.memory_space<vmem_shared>>)
      tpu.yield
    }) : () -> ()
    %barrier3A = arith.constant 0 : index
    tpu.barrier barrier_id(%barrier3A)
    "tpu.region"() ({
      %run_scoped3A_58 = tpu.sem_alloc : memref<!tpu.dma_semaphore, #tpu.memory_space<semaphore_mem>>
      %dma_start3A_59 = arith.constant 0 : i32
      %dma_start3A_60 = arith.constant 0 : i32
      %dma_start3A_61 = tpu.memref_slice %arg3[%add3A, %dma_start3A_59, %dma_start3A_60] : memref<32x40x256xi32, #tpu.memory_space<hbm>> -> memref<1x40x256xi32, #tpu.memory_space<hbm>>
      %dma_start3A_62 = tpu.memref_squeeze %dma_start3A_61 : memref<1x40x256xi32, #tpu.memory_space<hbm>> -> memref<40x256xi32, #tpu.memory_space<hbm>>
      %dma_start3A_63 = arith.constant 0 : i32
      %dma_start3A_64 = arith.constant 0 : i32
      %dma_start3A_65 = tpu.memref_slice %arg3[%add3A, %dma_start3A_63, %dma_start3A_64] : memref<32x40x256xi32, #tpu.memory_space<hbm>> -> memref<1x40x256xi32, #tpu.memory_space<hbm>>
      %dma_start3A_66 = tpu.memref_squeeze %dma_start3A_65 : memref<1x40x256xi32, #tpu.memory_space<hbm>> -> memref<40x256xi32, #tpu.memory_space<hbm>>
      tpu.enqueue_dma source(%dma_start3A_66 : memref<40x256xi32, #tpu.memory_space<hbm>>) target(%arg6 : memref<40x256xi32, #tpu.memory_space<vmem>>) target_semaphore(%run_scoped3A_58 : memref<!tpu.dma_semaphore, #tpu.memory_space<semaphore_mem>>)
      %dma_wait3A_67 = arith.constant 0 : i32
      %dma_wait3A_68 = arith.constant 0 : i32
      %dma_wait3A_69 = tpu.memref_slice %arg3[%add3A, %dma_wait3A_67, %dma_wait3A_68] : memref<32x40x256xi32, #tpu.memory_space<hbm>> -> memref<1x40x256xi32, #tpu.memory_space<hbm>>
      %dma_wait3A_70 = tpu.memref_squeeze %dma_wait3A_69 : memref<1x40x256xi32, #tpu.memory_space<hbm>> -> memref<40x256xi32, #tpu.memory_space<hbm>>
      %dma_wait3A_71 = arith.constant 0 : i32
      %dma_wait3A_72 = arith.constant 0 : i32
      %dma_wait3A_73 = tpu.memref_slice %arg3[%add3A, %dma_wait3A_71, %dma_wait3A_72] : memref<32x40x256xi32, #tpu.memory_space<hbm>> -> memref<1x40x256xi32, #tpu.memory_space<hbm>>
      %dma_wait3A_74 = tpu.memref_squeeze %dma_wait3A_73 : memref<1x40x256xi32, #tpu.memory_space<hbm>> -> memref<40x256xi32, #tpu.memory_space<hbm>>
      tpu.wait_dma2 semaphore(%run_scoped3A_58 : memref<!tpu.dma_semaphore, #tpu.memory_space<semaphore_mem>>) src(%dma_wait3A_74 : memref<40x256xi32, #tpu.memory_space<hbm>>) dst(%arg6 : memref<40x256xi32, #tpu.memory_space<vmem>>)
      tpu.yield
    }) : () -> ()
    "tpu.region"() ({
      %run_scoped3A_58 = tpu.sem_alloc : memref<!tpu.dma_semaphore, #tpu.memory_space<semaphore_mem>>
      %dma_start3A_59 = arith.constant 0 : i32
      %dma_start3A_60 = arith.constant 0 : i32
      %dma_start3A_61 = tpu.memref_slice %arg4[%add3A, %dma_start3A_59, %dma_start3A_60] : memref<32x40x256xi32, #tpu.memory_space<hbm>> -> memref<1x40x256xi32, #tpu.memory_space<hbm>>
      %dma_start3A_62 = tpu.memref_squeeze %dma_start3A_61 : memref<1x40x256xi32, #tpu.memory_space<hbm>> -> memref<40x256xi32, #tpu.memory_space<hbm>>
      %dma_start3A_63 = arith.constant 0 : i32
      %dma_start3A_64 = arith.constant 0 : i32
      %dma_start3A_65 = tpu.memref_slice %arg4[%add3A, %dma_start3A_63, %dma_start3A_64] : memref<32x40x256xi32, #tpu.memory_space<hbm>> -> memref<1x40x256xi32, #tpu.memory_space<hbm>>
      %dma_start3A_66 = tpu.memref_squeeze %dma_start3A_65 : memref<1x40x256xi32, #tpu.memory_space<hbm>> -> memref<40x256xi32, #tpu.memory_space<hbm>>
      tpu.enqueue_dma source(%dma_start3A_66 : memref<40x256xi32, #tpu.memory_space<hbm>>) target(%arg7 : memref<40x256xi32, #tpu.memory_space<vmem>>) target_semaphore(%run_scoped3A_58 : memref<!tpu.dma_semaphore, #tpu.memory_space<semaphore_mem>>)
      %dma_wait3A_67 = arith.constant 0 : i32
      %dma_wait3A_68 = arith.constant 0 : i32
      %dma_wait3A_69 = tpu.memref_slice %arg4[%add3A, %dma_wait3A_67, %dma_wait3A_68] : memref<32x40x256xi32, #tpu.memory_space<hbm>> -> memref<1x40x256xi32, #tpu.memory_space<hbm>>
      %dma_wait3A_70 = tpu.memref_squeeze %dma_wait3A_69 : memref<1x40x256xi32, #tpu.memory_space<hbm>> -> memref<40x256xi32, #tpu.memory_space<hbm>>
      %dma_wait3A_71 = arith.constant 0 : i32
      %dma_wait3A_72 = arith.constant 0 : i32
      %dma_wait3A_73 = tpu.memref_slice %arg4[%add3A, %dma_wait3A_71, %dma_wait3A_72] : memref<32x40x256xi32, #tpu.memory_space<hbm>> -> memref<1x40x256xi32, #tpu.memory_space<hbm>>
      %dma_wait3A_74 = tpu.memref_squeeze %dma_wait3A_73 : memref<1x40x256xi32, #tpu.memory_space<hbm>> -> memref<40x256xi32, #tpu.memory_space<hbm>>
      tpu.wait_dma2 semaphore(%run_scoped3A_58 : memref<!tpu.dma_semaphore, #tpu.memory_space<semaphore_mem>>) src(%dma_wait3A_74 : memref<40x256xi32, #tpu.memory_space<hbm>>) dst(%arg7 : memref<40x256xi32, #tpu.memory_space<vmem>>)
      tpu.yield
    }) : () -> ()
    %dma_start3A = arith.constant 0 : i32
    %dma_start3A_22 = arith.constant 0 : i32
    %dma_start3A_23 = tpu.memref_slice %arg6[%dma_start3A, %dma_start3A_22] : memref<40x256xi32, #tpu.memory_space<vmem>> -> memref<1x256xi32, #tpu.memory_space<vmem>>
    %dma_start3A_24 = tpu.memref_squeeze %dma_start3A_23 : memref<1x256xi32, #tpu.memory_space<vmem>> -> memref<256xi32, #tpu.memory_space<vmem>>
    %dma_start3A_25 = arith.constant 0 : i32
    %dma_start3A_26 = arith.constant 0 : i32
    %dma_start3A_27 = tpu.memref_slice %arg2[%dma_start3A_25, %dma_start3A_26] : memref<10240x64xf32, #tpu.memory_space<hbm>> -> memref<10240x64xf32, #tpu.memory_space<hbm>>
    tpu.enqueue_indirect_dma source(%dma_start3A_27 : memref<10240x64xf32, #tpu.memory_space<hbm>>) target(%arg8 : memref<256x64xf32, #tpu.memory_space<vmem>>) offsets(%dma_start3A_24 : memref<256xi32, #tpu.memory_space<vmem>>) semaphore(%arg13 : memref<!tpu.dma_semaphore, #tpu.memory_space<semaphore_mem>>)
    %dma_start3A_28 = arith.constant 1 : i32
    %dma_start3A_29 = arith.constant 0 : i32
    %dma_start3A_30 = tpu.memref_slice %arg6[%dma_start3A_28, %dma_start3A_29] : memref<40x256xi32, #tpu.memory_space<vmem>> -> memref<1x256xi32, #tpu.memory_space<vmem>>
    %dma_start3A_31 = tpu.memref_squeeze %dma_start3A_30 : memref<1x256xi32, #tpu.memory_space<vmem>> -> memref<256xi32, #tpu.memory_space<vmem>>
    %dma_start3A_32 = arith.constant 0 : i32
    %dma_start3A_33 = arith.constant 0 : i32
    %dma_start3A_34 = tpu.memref_slice %arg2[%dma_start3A_32, %dma_start3A_33] : memref<10240x64xf32, #tpu.memory_space<hbm>> -> memref<10240x64xf32, #tpu.memory_space<hbm>>
    tpu.enqueue_indirect_dma source(%dma_start3A_34 : memref<10240x64xf32, #tpu.memory_space<hbm>>) target(%arg9 : memref<256x64xf32, #tpu.memory_space<vmem>>) offsets(%dma_start3A_31 : memref<256xi32, #tpu.memory_space<vmem>>) semaphore(%arg14 : memref<!tpu.dma_semaphore, #tpu.memory_space<semaphore_mem>>)
    %dma_start3A_35 = arith.constant 2 : i32
    %dma_start3A_36 = arith.constant 0 : i32
    %dma_start3A_37 = tpu.memref_slice %arg6[%dma_start3A_35, %dma_start3A_36] : memref<40x256xi32, #tpu.memory_space<vmem>> -> memref<1x256xi32, #tpu.memory_space<vmem>>
    %dma_start3A_38 = tpu.memref_squeeze %dma_start3A_37 : memref<1x256xi32, #tpu.memory_space<vmem>> -> memref<256xi32, #tpu.memory_space<vmem>>
    %dma_start3A_39 = arith.constant 0 : i32
    %dma_start3A_40 = arith.constant 0 : i32
    %dma_start3A_41 = tpu.memref_slice %arg2[%dma_start3A_39, %dma_start3A_40] : memref<10240x64xf32, #tpu.memory_space<hbm>> -> memref<10240x64xf32, #tpu.memory_space<hbm>>
    tpu.enqueue_indirect_dma source(%dma_start3A_41 : memref<10240x64xf32, #tpu.memory_space<hbm>>) target(%arg10 : memref<256x64xf32, #tpu.memory_space<vmem>>) offsets(%dma_start3A_38 : memref<256xi32, #tpu.memory_space<vmem>>) semaphore(%arg15 : memref<!tpu.dma_semaphore, #tpu.memory_space<semaphore_mem>>)
    %scan3A_42 = arith.constant 0 : i32
    %scan3A_43 = arith.constant 13 : i32
    %scan3A_44 = arith.addi %scan3A_42, %scan3A_43 : i32
    %scan3A_45 = arith.constant 1 : i32
    scf.for %scan3A_58 = %scan3A_42 to %scan3A_44 step %scan3A_45  : i32 {
      %mul3A_59 = arith.constant 1 : i32
      %mul3A_60 = arith.muli %scan3A_58, %mul3A_59 : i32
      %add3A_61 = arith.constant 0 : i32
      %add3A_62 = arith.addi %add3A_61, %mul3A_60 : i32
      %mul3A_63 = arith.constant 3 : i32
      %mul3A_64 = arith.muli %add3A_62, %mul3A_63 : i32
      %add3A_65 = arith.constant 0 : i32
      %add3A_66 = arith.addi %mul3A_64, %add3A_65 : i32
      %dma_wait3A_67 = arith.constant 0 : i32
      %dma_wait3A_68 = tpu.memref_slice %arg6[%add3A_66, %dma_wait3A_67] : memref<40x256xi32, #tpu.memory_space<vmem>> -> memref<1x256xi32, #tpu.memory_space<vmem>>
      %dma_wait3A_69 = tpu.memref_squeeze %dma_wait3A_68 : memref<1x256xi32, #tpu.memory_space<vmem>> -> memref<256xi32, #tpu.memory_space<vmem>>
      %dma_wait3A_70 = arith.constant 0 : i32
      %dma_wait3A_71 = arith.constant 0 : i32
      %dma_wait3A_72 = tpu.memref_slice %arg2[%dma_wait3A_70, %dma_wait3A_71] : memref<10240x64xf32, #tpu.memory_space<hbm>> -> memref<10240x64xf32, #tpu.memory_space<hbm>>
      tpu.wait_indirect_dma semaphore(%arg13 : memref<!tpu.dma_semaphore, #tpu.memory_space<semaphore_mem>>) src(%dma_wait3A_72 : memref<10240x64xf32, #tpu.memory_space<hbm>>) dst(%arg8 : memref<256x64xf32, #tpu.memory_space<vmem>>)
      %add3A_73 = arith.constant 0 : i32
      %add3A_74 = arith.addi %mul3A_64, %add3A_73 : i32
      %dma_start3A_75 = arith.constant 0 : i32
      %dma_start3A_76 = tpu.memref_slice %arg7[%add3A_74, %dma_start3A_75] : memref<40x256xi32, #tpu.memory_space<vmem>> -> memref<1x256xi32, #tpu.memory_space<vmem>>
      %dma_start3A_77 = tpu.memref_squeeze %dma_start3A_76 : memref<1x256xi32, #tpu.memory_space<vmem>> -> memref<256xi32, #tpu.memory_space<vmem>>
      %dma_start3A_78 = arith.constant 0 : i32
      %dma_start3A_79 = arith.constant 0 : i32
      %dma_start3A_80 = tpu.memref_slice %arg12[%dma_start3A_78, %dma_start3A_79] : memref<10240x64xf32, #tpu.memory_space<vmem_shared>> -> memref<10240x64xf32, #tpu.memory_space<vmem_shared>>
      tpu.enqueue_indirect_dma source(%arg8 : memref<256x64xf32, #tpu.memory_space<vmem>>) target(%dma_start3A_80 : memref<10240x64xf32, #tpu.memory_space<vmem_shared>>) offsets(%dma_start3A_77 : memref<256xi32, #tpu.memory_space<vmem>>) semaphore(%arg16 : memref<!tpu.dma_semaphore, #tpu.memory_space<semaphore_mem>>) {add = true}
      %add3A_81 = arith.constant 1 : i32
      %add3A_82 = arith.addi %mul3A_64, %add3A_81 : i32
      %dma_wait3A_83 = arith.constant 0 : i32
      %dma_wait3A_84 = tpu.memref_slice %arg6[%add3A_82, %dma_wait3A_83] : memref<40x256xi32, #tpu.memory_space<vmem>> -> memref<1x256xi32, #tpu.memory_space<vmem>>
      %dma_wait3A_85 = tpu.memref_squeeze %dma_wait3A_84 : memref<1x256xi32, #tpu.memory_space<vmem>> -> memref<256xi32, #tpu.memory_space<vmem>>
      %dma_wait3A_86 = arith.constant 0 : i32
      %dma_wait3A_87 = arith.constant 0 : i32
      %dma_wait3A_88 = tpu.memref_slice %arg2[%dma_wait3A_86, %dma_wait3A_87] : memref<10240x64xf32, #tpu.memory_space<hbm>> -> memref<10240x64xf32, #tpu.memory_space<hbm>>
      tpu.wait_indirect_dma semaphore(%arg14 : memref<!tpu.dma_semaphore, #tpu.memory_space<semaphore_mem>>) src(%dma_wait3A_88 : memref<10240x64xf32, #tpu.memory_space<hbm>>) dst(%arg9 : memref<256x64xf32, #tpu.memory_space<vmem>>)
      %add3A_89 = arith.constant 1 : i32
      %add3A_90 = arith.addi %mul3A_64, %add3A_89 : i32
      %dma_start3A_91 = arith.constant 0 : i32
      %dma_start3A_92 = tpu.memref_slice %arg7[%add3A_90, %dma_start3A_91] : memref<40x256xi32, #tpu.memory_space<vmem>> -> memref<1x256xi32, #tpu.memory_space<vmem>>
      %dma_start3A_93 = tpu.memref_squeeze %dma_start3A_92 : memref<1x256xi32, #tpu.memory_space<vmem>> -> memref<256xi32, #tpu.memory_space<vmem>>
      %dma_start3A_94 = arith.constant 0 : i32
      %dma_start3A_95 = arith.constant 0 : i32
      %dma_start3A_96 = tpu.memref_slice %arg12[%dma_start3A_94, %dma_start3A_95] : memref<10240x64xf32, #tpu.memory_space<vmem_shared>> -> memref<10240x64xf32, #tpu.memory_space<vmem_shared>>
      tpu.enqueue_indirect_dma source(%arg9 : memref<256x64xf32, #tpu.memory_space<vmem>>) target(%dma_start3A_96 : memref<10240x64xf32, #tpu.memory_space<vmem_shared>>) offsets(%dma_start3A_93 : memref<256xi32, #tpu.memory_space<vmem>>) semaphore(%arg17 : memref<!tpu.dma_semaphore, #tpu.memory_space<semaphore_mem>>) {add = true}
      %add3A_97 = arith.constant 2 : i32
      %add3A_98 = arith.addi %mul3A_64, %add3A_97 : i32
      %dma_wait3A_99 = arith.constant 0 : i32
      %dma_wait3A_100 = tpu.memref_slice %arg6[%add3A_98, %dma_wait3A_99] : memref<40x256xi32, #tpu.memory_space<vmem>> -> memref<1x256xi32, #tpu.memory_space<vmem>>
      %dma_wait3A_101 = tpu.memref_squeeze %dma_wait3A_100 : memref<1x256xi32, #tpu.memory_space<vmem>> -> memref<256xi32, #tpu.memory_space<vmem>>
      %dma_wait3A_102 = arith.constant 0 : i32
      %dma_wait3A_103 = arith.constant 0 : i32
      %dma_wait3A_104 = tpu.memref_slice %arg2[%dma_wait3A_102, %dma_wait3A_103] : memref<10240x64xf32, #tpu.memory_space<hbm>> -> memref<10240x64xf32, #tpu.memory_space<hbm>>
      tpu.wait_indirect_dma semaphore(%arg15 : memref<!tpu.dma_semaphore, #tpu.memory_space<semaphore_mem>>) src(%dma_wait3A_104 : memref<10240x64xf32, #tpu.memory_space<hbm>>) dst(%arg10 : memref<256x64xf32, #tpu.memory_space<vmem>>)
      %add3A_105 = arith.constant 2 : i32
      %add3A_106 = arith.addi %mul3A_64, %add3A_105 : i32
      %dma_start3A_107 = arith.constant 0 : i32
      %dma_start3A_108 = tpu.memref_slice %arg7[%add3A_106, %dma_start3A_107] : memref<40x256xi32, #tpu.memory_space<vmem>> -> memref<1x256xi32, #tpu.memory_space<vmem>>
      %dma_start3A_109 = tpu.memref_squeeze %dma_start3A_108 : memref<1x256xi32, #tpu.memory_space<vmem>> -> memref<256xi32, #tpu.memory_space<vmem>>
      %dma_start3A_110 = arith.constant 0 : i32
      %dma_start3A_111 = arith.constant 0 : i32
      %dma_start3A_112 = tpu.memref_slice %arg12[%dma_start3A_110, %dma_start3A_111] : memref<10240x64xf32, #tpu.memory_space<vmem_shared>> -> memref<10240x64xf32, #tpu.memory_space<vmem_shared>>
      tpu.enqueue_indirect_dma source(%arg10 : memref<256x64xf32, #tpu.memory_space<vmem>>) target(%dma_start3A_112 : memref<10240x64xf32, #tpu.memory_space<vmem_shared>>) offsets(%dma_start3A_109 : memref<256xi32, #tpu.memory_space<vmem>>) semaphore(%arg18 : memref<!tpu.dma_semaphore, #tpu.memory_space<semaphore_mem>>) {add = true}
      %add3A_113 = arith.constant 0 : i32
      %add3A_114 = arith.addi %mul3A_64, %add3A_113 : i32
      %dma_wait3A_115 = arith.constant 0 : i32
      %dma_wait3A_116 = tpu.memref_slice %arg7[%add3A_114, %dma_wait3A_115] : memref<40x256xi32, #tpu.memory_space<vmem>> -> memref<1x256xi32, #tpu.memory_space<vmem>>
      %dma_wait3A_117 = tpu.memref_squeeze %dma_wait3A_116 : memref<1x256xi32, #tpu.memory_space<vmem>> -> memref<256xi32, #tpu.memory_space<vmem>>
      %dma_wait3A_118 = arith.constant 0 : i32
      %dma_wait3A_119 = arith.constant 0 : i32
      %dma_wait3A_120 = tpu.memref_slice %arg12[%dma_wait3A_118, %dma_wait3A_119] : memref<10240x64xf32, #tpu.memory_space<vmem_shared>> -> memref<10240x64xf32, #tpu.memory_space<vmem_shared>>
      tpu.wait_indirect_dma semaphore(%arg16 : memref<!tpu.dma_semaphore, #tpu.memory_space<semaphore_mem>>) src(%arg8 : memref<256x64xf32, #tpu.memory_space<vmem>>) dst(%dma_wait3A_120 : memref<10240x64xf32, #tpu.memory_space<vmem_shared>>)
      %add3A_121 = arith.constant 3 : i32
      %add3A_122 = arith.addi %mul3A_64, %add3A_121 : i32
      %add3A_123 = arith.constant 0 : i32
      %add3A_124 = arith.addi %add3A_122, %add3A_123 : i32
      %lt3A = arith.constant 40 : i32
      %lt3A_125 = arith.cmpi slt, %add3A_124, %lt3A : i32
      %convert_element_type3A = arith.extui %lt3A_125 : i1 to i32
      %cond3A = arith.constant 0 : i32
      %cond3A_126 = arith.cmpi ne, %convert_element_type3A, %cond3A : i32
      scf.if %cond3A_126 {
        %add3A_161 = arith.constant 3 : i32
        %add3A_162 = arith.addi %mul3A_64, %add3A_161 : i32
        %add3A_163 = arith.constant 0 : i32
        %add3A_164 = arith.addi %add3A_162, %add3A_163 : i32
        %dma_start3A_165 = arith.constant 0 : i32
        %dma_start3A_166 = tpu.memref_slice %arg6[%add3A_164, %dma_start3A_165] : memref<40x256xi32, #tpu.memory_space<vmem>> -> memref<1x256xi32, #tpu.memory_space<vmem>>
        %dma_start3A_167 = tpu.memref_squeeze %dma_start3A_166 : memref<1x256xi32, #tpu.memory_space<vmem>> -> memref<256xi32, #tpu.memory_space<vmem>>
        %dma_start3A_168 = arith.constant 0 : i32
        %dma_start3A_169 = arith.constant 0 : i32
        %dma_start3A_170 = tpu.memref_slice %arg2[%dma_start3A_168, %dma_start3A_169] : memref<10240x64xf32, #tpu.memory_space<hbm>> -> memref<10240x64xf32, #tpu.memory_space<hbm>>
        tpu.enqueue_indirect_dma source(%dma_start3A_170 : memref<10240x64xf32, #tpu.memory_space<hbm>>) target(%arg8 : memref<256x64xf32, #tpu.memory_space<vmem>>) offsets(%dma_start3A_167 : memref<256xi32, #tpu.memory_space<vmem>>) semaphore(%arg13 : memref<!tpu.dma_semaphore, #tpu.memory_space<semaphore_mem>>)
      } else {
      }
      %add3A_127 = arith.constant 1 : i32
      %add3A_128 = arith.addi %mul3A_64, %add3A_127 : i32
      %dma_wait3A_129 = arith.constant 0 : i32
      %dma_wait3A_130 = tpu.memref_slice %arg7[%add3A_128, %dma_wait3A_129] : memref<40x256xi32, #tpu.memory_space<vmem>> -> memref<1x256xi32, #tpu.memory_space<vmem>>
      %dma_wait3A_131 = tpu.memref_squeeze %dma_wait3A_130 : memref<1x256xi32, #tpu.memory_space<vmem>> -> memref<256xi32, #tpu.memory_space<vmem>>
      %dma_wait3A_132 = arith.constant 0 : i32
      %dma_wait3A_133 = arith.constant 0 : i32
      %dma_wait3A_134 = tpu.memref_slice %arg12[%dma_wait3A_132, %dma_wait3A_133] : memref<10240x64xf32, #tpu.memory_space<vmem_shared>> -> memref<10240x64xf32, #tpu.memory_space<vmem_shared>>
      tpu.wait_indirect_dma semaphore(%arg17 : memref<!tpu.dma_semaphore, #tpu.memory_space<semaphore_mem>>) src(%arg9 : memref<256x64xf32, #tpu.memory_space<vmem>>) dst(%dma_wait3A_134 : memref<10240x64xf32, #tpu.memory_space<vmem_shared>>)
      %add3A_135 = arith.constant 3 : i32
      %add3A_136 = arith.addi %mul3A_64, %add3A_135 : i32
      %add3A_137 = arith.constant 1 : i32
      %add3A_138 = arith.addi %add3A_136, %add3A_137 : i32
      %lt3A_139 = arith.constant 40 : i32
      %lt3A_140 = arith.cmpi slt, %add3A_138, %lt3A_139 : i32
      %convert_element_type3A_141 = arith.extui %lt3A_140 : i1 to i32
      %cond3A_142 = arith.constant 0 : i32
      %cond3A_143 = arith.cmpi ne, %convert_element_type3A_141, %cond3A_142 : i32
      scf.if %cond3A_143 {
        %add3A_161 = arith.constant 3 : i32
        %add3A_162 = arith.addi %mul3A_64, %add3A_161 : i32
        %add3A_163 = arith.constant 1 : i32
        %add3A_164 = arith.addi %add3A_162, %add3A_163 : i32
        %dma_start3A_165 = arith.constant 0 : i32
        %dma_start3A_166 = tpu.memref_slice %arg6[%add3A_164, %dma_start3A_165] : memref<40x256xi32, #tpu.memory_space<vmem>> -> memref<1x256xi32, #tpu.memory_space<vmem>>
        %dma_start3A_167 = tpu.memref_squeeze %dma_start3A_166 : memref<1x256xi32, #tpu.memory_space<vmem>> -> memref<256xi32, #tpu.memory_space<vmem>>
        %dma_start3A_168 = arith.constant 0 : i32
        %dma_start3A_169 = arith.constant 0 : i32
        %dma_start3A_170 = tpu.memref_slice %arg2[%dma_start3A_168, %dma_start3A_169] : memref<10240x64xf32, #tpu.memory_space<hbm>> -> memref<10240x64xf32, #tpu.memory_space<hbm>>
        tpu.enqueue_indirect_dma source(%dma_start3A_170 : memref<10240x64xf32, #tpu.memory_space<hbm>>) target(%arg9 : memref<256x64xf32, #tpu.memory_space<vmem>>) offsets(%dma_start3A_167 : memref<256xi32, #tpu.memory_space<vmem>>) semaphore(%arg14 : memref<!tpu.dma_semaphore, #tpu.memory_space<semaphore_mem>>)
      } else {
      }
      %add3A_144 = arith.constant 2 : i32
      %add3A_145 = arith.addi %mul3A_64, %add3A_144 : i32
      %dma_wait3A_146 = arith.constant 0 : i32
      %dma_wait3A_147 = tpu.memref_slice %arg7[%add3A_145, %dma_wait3A_146] : memref<40x256xi32, #tpu.memory_space<vmem>> -> memref<1x256xi32, #tpu.memory_space<vmem>>
      %dma_wait3A_148 = tpu.memref_squeeze %dma_wait3A_147 : memref<1x256xi32, #tpu.memory_space<vmem>> -> memref<256xi32, #tpu.memory_space<vmem>>
      %dma_wait3A_149 = arith.constant 0 : i32
      %dma_wait3A_150 = arith.constant 0 : i32
      %dma_wait3A_151 = tpu.memref_slice %arg12[%dma_wait3A_149, %dma_wait3A_150] : memref<10240x64xf32, #tpu.memory_space<vmem_shared>> -> memref<10240x64xf32, #tpu.memory_space<vmem_shared>>
      tpu.wait_indirect_dma semaphore(%arg18 : memref<!tpu.dma_semaphore, #tpu.memory_space<semaphore_mem>>) src(%arg10 : memref<256x64xf32, #tpu.memory_space<vmem>>) dst(%dma_wait3A_151 : memref<10240x64xf32, #tpu.memory_space<vmem_shared>>)
      %add3A_152 = arith.constant 3 : i32
      %add3A_153 = arith.addi %mul3A_64, %add3A_152 : i32
      %add3A_154 = arith.constant 2 : i32
      %add3A_155 = arith.addi %add3A_153, %add3A_154 : i32
      %lt3A_156 = arith.constant 40 : i32
      %lt3A_157 = arith.cmpi slt, %add3A_155, %lt3A_156 : i32
      %convert_element_type3A_158 = arith.extui %lt3A_157 : i1 to i32
      %cond3A_159 = arith.constant 0 : i32
      %cond3A_160 = arith.cmpi ne, %convert_element_type3A_158, %cond3A_159 : i32
      scf.if %cond3A_160 {
        %add3A_161 = arith.constant 3 : i32
        %add3A_162 = arith.addi %mul3A_64, %add3A_161 : i32
        %add3A_163 = arith.constant 2 : i32
        %add3A_164 = arith.addi %add3A_162, %add3A_163 : i32
        %dma_start3A_165 = arith.constant 0 : i32
        %dma_start3A_166 = tpu.memref_slice %arg6[%add3A_164, %dma_start3A_165] : memref<40x256xi32, #tpu.memory_space<vmem>> -> memref<1x256xi32, #tpu.memory_space<vmem>>
        %dma_start3A_167 = tpu.memref_squeeze %dma_start3A_166 : memref<1x256xi32, #tpu.memory_space<vmem>> -> memref<256xi32, #tpu.memory_space<vmem>>
        %dma_start3A_168 = arith.constant 0 : i32
        %dma_start3A_169 = arith.constant 0 : i32
        %dma_start3A_170 = tpu.memref_slice %arg2[%dma_start3A_168, %dma_start3A_169] : memref<10240x64xf32, #tpu.memory_space<hbm>> -> memref<10240x64xf32, #tpu.memory_space<hbm>>
        tpu.enqueue_indirect_dma source(%dma_start3A_170 : memref<10240x64xf32, #tpu.memory_space<hbm>>) target(%arg10 : memref<256x64xf32, #tpu.memory_space<vmem>>) offsets(%dma_start3A_167 : memref<256xi32, #tpu.memory_space<vmem>>) semaphore(%arg15 : memref<!tpu.dma_semaphore, #tpu.memory_space<semaphore_mem>>)
      } else {
      }
    }
    %scan3A_46 = arith.constant 13 : i32
    %dma_wait3A = arith.constant 39 : i32
    %dma_wait3A_47 = arith.constant 0 : i32
    %dma_wait3A_48 = tpu.memref_slice %arg6[%dma_wait3A, %dma_wait3A_47] : memref<40x256xi32, #tpu.memory_space<vmem>> -> memref<1x256xi32, #tpu.memory_space<vmem>>
    %dma_wait3A_49 = tpu.memref_squeeze %dma_wait3A_48 : memref<1x256xi32, #tpu.memory_space<vmem>> -> memref<256xi32, #tpu.memory_space<vmem>>
    %dma_wait3A_50 = arith.constant 0 : i32
    %dma_wait3A_51 = arith.constant 0 : i32
    %dma_wait3A_52 = tpu.memref_slice %arg2[%dma_wait3A_50, %dma_wait3A_51] : memref<10240x64xf32, #tpu.memory_space<hbm>> -> memref<10240x64xf32, #tpu.memory_space<hbm>>
    tpu.wait_indirect_dma semaphore(%arg13 : memref<!tpu.dma_semaphore, #tpu.memory_space<semaphore_mem>>) src(%dma_wait3A_52 : memref<10240x64xf32, #tpu.memory_space<hbm>>) dst(%arg8 : memref<256x64xf32, #tpu.memory_space<vmem>>)
    %run_scoped3A = arith.constant 39 : i32
    "tpu.region"() ({
      %run_scoped3A_58 = tpu.sem_alloc : memref<!tpu.dma_semaphore, #tpu.memory_space<semaphore_mem>>
      %dma_start3A_59 = arith.constant 0 : i32
      %dma_start3A_60 = tpu.memref_slice %arg7[%run_scoped3A, %dma_start3A_59] : memref<40x256xi32, #tpu.memory_space<vmem>> -> memref<1x256xi32, #tpu.memory_space<vmem>>
      %dma_start3A_61 = tpu.memref_squeeze %dma_start3A_60 : memref<1x256xi32, #tpu.memory_space<vmem>> -> memref<256xi32, #tpu.memory_space<vmem>>
      %dma_start3A_62 = arith.constant 0 : i32
      %dma_start3A_63 = arith.constant 0 : i32
      %dma_start3A_64 = tpu.memref_slice %arg12[%dma_start3A_62, %dma_start3A_63] : memref<10240x64xf32, #tpu.memory_space<vmem_shared>> -> memref<10240x64xf32, #tpu.memory_space<vmem_shared>>
      tpu.enqueue_indirect_dma source(%arg8 : memref<256x64xf32, #tpu.memory_space<vmem>>) target(%dma_start3A_64 : memref<10240x64xf32, #tpu.memory_space<vmem_shared>>) offsets(%dma_start3A_61 : memref<256xi32, #tpu.memory_space<vmem>>) semaphore(%run_scoped3A_58 : memref<!tpu.dma_semaphore, #tpu.memory_space<semaphore_mem>>) {add = true}
      %dma_wait3A_65 = arith.constant 0 : i32
      %dma_wait3A_66 = tpu.memref_slice %arg7[%run_scoped3A, %dma_wait3A_65] : memref<40x256xi32, #tpu.memory_space<vmem>> -> memref<1x256xi32, #tpu.memory_space<vmem>>
      %dma_wait3A_67 = tpu.memref_squeeze %dma_wait3A_66 : memref<1x256xi32, #tpu.memory_space<vmem>> -> memref<256xi32, #tpu.memory_space<vmem>>
      %dma_wait3A_68 = arith.constant 0 : i32
      %dma_wait3A_69 = arith.constant 0 : i32
      %dma_wait3A_70 = tpu.memref_slice %arg12[%dma_wait3A_68, %dma_wait3A_69] : memref<10240x64xf32, #tpu.memory_space<vmem_shared>> -> memref<10240x64xf32, #tpu.memory_space<vmem_shared>>
      tpu.wait_indirect_dma semaphore(%run_scoped3A_58 : memref<!tpu.dma_semaphore, #tpu.memory_space<semaphore_mem>>) src(%arg8 : memref<256x64xf32, #tpu.memory_space<vmem>>) dst(%dma_wait3A_70 : memref<10240x64xf32, #tpu.memory_space<vmem_shared>>)
      tpu.yield
    }) : () -> ()
    %barrier3A_53 = arith.constant 0 : index
    tpu.barrier barrier_id(%barrier3A_53)
    %mul3A_54 = arith.constant 640 : i32
    %mul3A_55 = arith.muli %arg1, %mul3A_54 : i32
    %mul3A_56 = arith.constant 640 : i32
    %mul3A_57 = arith.muli %arg1, %mul3A_56 : i32
    "tpu.region"() ({
      %run_scoped3A_58 = tpu.sem_alloc : memref<!tpu.dma_semaphore, #tpu.memory_space<semaphore_mem>>
      %dma_start3A_59 = arith.constant 0 : i32
      %dma_start3A_60 = tpu.memref_slice %arg5[%arg0, %mul3A_57, %dma_start3A_59] : memref<2x10240x64xf32, #tpu.memory_space<hbm>> -> memref<1x640x64xf32, #tpu.memory_space<hbm>>
      %dma_start3A_61 = tpu.memref_squeeze %dma_start3A_60 : memref<1x640x64xf32, #tpu.memory_space<hbm>> -> memref<640x64xf32, #tpu.memory_space<hbm>>
      %dma_start3A_62 = arith.constant 0 : i32
      %dma_start3A_63 = tpu.memref_slice %arg12[%mul3A_55, %dma_start3A_62] : memref<10240x64xf32, #tpu.memory_space<vmem_shared>> -> memref<640x64xf32, #tpu.memory_space<vmem_shared>>
      tpu.enqueue_dma source(%dma_start3A_63 : memref<640x64xf32, #tpu.memory_space<vmem_shared>>) target(%dma_start3A_61 : memref<640x64xf32, #tpu.memory_space<hbm>>) target_semaphore(%run_scoped3A_58 : memref<!tpu.dma_semaphore, #tpu.memory_space<semaphore_mem>>)
      %dma_wait3A_64 = arith.constant 0 : i32
      %dma_wait3A_65 = tpu.memref_slice %arg5[%arg0, %mul3A_57, %dma_wait3A_64] : memref<2x10240x64xf32, #tpu.memory_space<hbm>> -> memref<1x640x64xf32, #tpu.memory_space<hbm>>
      %dma_wait3A_66 = tpu.memref_squeeze %dma_wait3A_65 : memref<1x640x64xf32, #tpu.memory_space<hbm>> -> memref<640x64xf32, #tpu.memory_space<hbm>>
      %dma_wait3A_67 = arith.constant 0 : i32
      %dma_wait3A_68 = tpu.memref_slice %arg12[%mul3A_55, %dma_wait3A_67] : memref<10240x64xf32, #tpu.memory_space<vmem_shared>> -> memref<640x64xf32, #tpu.memory_space<vmem_shared>>
      tpu.wait_dma2 semaphore(%run_scoped3A_58 : memref<!tpu.dma_semaphore, #tpu.memory_space<semaphore_mem>>) src(%dma_wait3A_68 : memref<640x64xf32, #tpu.memory_space<vmem_shared>>) dst(%dma_wait3A_66 : memref<640x64xf32, #tpu.memory_space<hbm>>)
      tpu.yield
    }) : () -> ()
    return
  }
}

module attributes {stable_mosaic.version = 14 : i64} {
  func.func @_k2_body(%arg0: memref<10240x32xf32, #tpu.memory_space<vmem>>, %arg1: memref<10240x128xf32, #tpu.memory_space<vmem>>, %arg2: memref<128x64xf32, #tpu.memory_space<vmem>>, %arg3: memref<10240x64xf32, #tpu.memory_space<vmem>>, %arg4: memref<10240x1xf32, #tpu.memory_space<vmem>>) attributes {dimension_semantics = [], scalar_prefetch = 0 : i64, scratch_operands = 0 : i64, tpu.core_type = #tpu.core_type<tc>} {
    %get3A = arith.constant 0 : index
    %get3A_0 = arith.constant 0 : index
    %get3A_1 = vector.load %arg0[%get3A, %get3A_0] : memref<10240x32xf32, #tpu.memory_space<vmem>>, vector<10240x32xf32>
    %reduce_sum3A = arith.constant dense<0.000000e+00> : vector<10240xf32>
    %reduce_sum3A_2 = vector.multi_reduction <add>, %get3A_1, %reduce_sum3A [1] : vector<10240x32xf32> to vector<10240xf32>
    %broadcast_in_dim3A = vector.shape_cast %reduce_sum3A_2 : vector<10240xf32> to vector<10240x1xf32>
    %add3A = arith.constant 1.000000e+00 : f32
    %add3A_3 = vector.broadcast %add3A : f32 to vector<10240x1xf32>
    %add3A_4 = arith.addf %broadcast_in_dim3A, %add3A_3 : vector<10240x1xf32>
    %rsqrt3A = math.rsqrt %add3A_4 : vector<10240x1xf32>
    %get3A_5 = arith.constant 0 : index
    %get3A_6 = arith.constant 0 : index
    %get3A_7 = vector.load %arg1[%get3A_5, %get3A_6] : memref<10240x128xf32, #tpu.memory_space<vmem>>, vector<10240x128xf32>
    %get3A_8 = arith.constant 0 : index
    %get3A_9 = arith.constant 0 : index
    %get3A_10 = vector.load %arg2[%get3A_8, %get3A_9] : memref<128x64xf32, #tpu.memory_space<vmem>>, vector<128x64xf32>
    %dot_general3A = arith.constant dense<0.000000e+00> : vector<10240x64xf32>
    %dot_general3A_11 = tpu.matmul %get3A_7, %get3A_10, %dot_general3A {dimension_numbers = #tpu.dot_dimension_numbers<[1], [0], [0], [1], [0, 0, 1, 1], [], []>, transpose_lhs_hint = false} : vector<10240x128xf32>, vector<128x64xf32>, vector<10240x64xf32> -> vector<10240x64xf32>
    %mul3A = vector.broadcast %rsqrt3A : vector<10240x1xf32> to vector<10240x64xf32>
    %mul3A_12 = arith.mulf %dot_general3A_11, %mul3A : vector<10240x64xf32>
    %swap3A = arith.constant 0 : index
    %swap3A_13 = arith.constant 0 : index
    %swap3A_14 = vector.load %arg3[%swap3A, %swap3A_13] : memref<10240x64xf32, #tpu.memory_space<vmem>>, vector<10240x64xf32>
    tpu.vector_store %arg3[%swap3A, %swap3A_13], %mul3A_12 {strides = array<i32>} : memref<10240x64xf32, #tpu.memory_space<vmem>>, vector<10240x64xf32>,
    %swap3A_15 = arith.constant 0 : index
    %swap3A_16 = arith.constant 0 : index
    %swap3A_17 = vector.load %arg4[%swap3A_15, %swap3A_16] : memref<10240x1xf32, #tpu.memory_space<vmem>>, vector<10240x1xf32>
    tpu.vector_store %arg4[%swap3A_15, %swap3A_16], %rsqrt3A {strides = array<i32>} : memref<10240x1xf32, #tpu.memory_space<vmem>>, vector<10240x1xf32>,
    return
  }
}

module attributes {stable_mosaic.version = 14 : i64} {
  func.func @_k4_body(%arg0: memref<10240x64xf32, #tpu.memory_space<vmem>>, %arg1: memref<2x10240x64xf32, #tpu.memory_space<vmem>>, %arg2: memref<10240x1xf32, #tpu.memory_space<vmem>>, %arg3: memref<1x64xf32, #tpu.memory_space<vmem>>, %arg4: memref<64x64xf32, #tpu.memory_space<vmem>>, %arg5: memref<10240x64xf32, #tpu.memory_space<vmem>>) attributes {dimension_semantics = [], scalar_prefetch = 0 : i64, scratch_operands = 0 : i64, tpu.core_type = #tpu.core_type<tc>} {
    %get3A = arith.constant 0 : index
    %get3A_0 = arith.constant 0 : index
    %get3A_1 = vector.load %arg2[%get3A, %get3A_0] : memref<10240x1xf32, #tpu.memory_space<vmem>>, vector<10240x1xf32>
    %get3A_2 = arith.constant 0 : index
    %get3A_3 = arith.constant 0 : index
    %get3A_4 = vector.load %arg0[%get3A_2, %get3A_3] : memref<10240x64xf32, #tpu.memory_space<vmem>>, vector<10240x64xf32>
    %get3A_5 = arith.constant 0 : index
    %get3A_6 = arith.constant 0 : index
    %get3A_7 = arith.constant 0 : index
    %get3A_8 = vector.load %arg1[%get3A_5, %get3A_6, %get3A_7] : memref<2x10240x64xf32, #tpu.memory_space<vmem>>, vector<1x10240x64xf32>
    %get3A_9 = vector.shape_cast %get3A_8 : vector<1x10240x64xf32> to vector<10240x64xf32>
    %add3A = arith.addf %get3A_4, %get3A_9 : vector<10240x64xf32>
    %get3A_10 = arith.constant 1 : index
    %get3A_11 = arith.constant 0 : index
    %get3A_12 = arith.constant 0 : index
    %get3A_13 = vector.load %arg1[%get3A_10, %get3A_11, %get3A_12] : memref<2x10240x64xf32, #tpu.memory_space<vmem>>, vector<1x10240x64xf32>
    %get3A_14 = vector.shape_cast %get3A_13 : vector<1x10240x64xf32> to vector<10240x64xf32>
    %add3A_15 = arith.addf %add3A, %get3A_14 : vector<10240x64xf32>
    %mul3A = vector.broadcast %get3A_1 : vector<10240x1xf32> to vector<10240x64xf32>
    %mul3A_16 = arith.mulf %mul3A, %add3A_15 : vector<10240x64xf32>
    %get3A_17 = arith.constant 0 : index
    %get3A_18 = arith.constant 0 : index
    %get3A_19 = vector.load %arg3[%get3A_17, %get3A_18] : memref<1x64xf32, #tpu.memory_space<vmem>>, vector<1x64xf32>
    %add3A_20 = vector.broadcast %get3A_19 : vector<1x64xf32> to vector<10240x64xf32>
    %add3A_21 = arith.addf %mul3A_16, %add3A_20 : vector<10240x64xf32>
    %max3A = arith.constant 0.000000e+00 : f32
    %max3A_22 = vector.broadcast %max3A : f32 to vector<10240x64xf32>
    %max3A_23 = arith.maximumf %add3A_21, %max3A_22 : vector<10240x64xf32>
    %get3A_24 = arith.constant 0 : index
    %get3A_25 = arith.constant 0 : index
    %get3A_26 = vector.load %arg4[%get3A_24, %get3A_25] : memref<64x64xf32, #tpu.memory_space<vmem>>, vector<64x64xf32>
    %dot_general3A = arith.constant dense<0.000000e+00> : vector<10240x64xf32>
    %dot_general3A_27 = tpu.matmul %max3A_23, %get3A_26, %dot_general3A {dimension_numbers = #tpu.dot_dimension_numbers<[1], [0], [0], [1], [0, 0, 1, 1], [], []>, transpose_lhs_hint = false} : vector<10240x64xf32>, vector<64x64xf32>, vector<10240x64xf32> -> vector<10240x64xf32>
    %mul3A_28 = vector.broadcast %get3A_1 : vector<10240x1xf32> to vector<10240x64xf32>
    %mul3A_29 = arith.mulf %mul3A_28, %dot_general3A_27 : vector<10240x64xf32>
    %swap3A = arith.constant 0 : index
    %swap3A_30 = arith.constant 0 : index
    %swap3A_31 = vector.load %arg5[%swap3A, %swap3A_30] : memref<10240x64xf32, #tpu.memory_space<vmem>>, vector<10240x64xf32>
    tpu.vector_store %arg5[%swap3A, %swap3A_30], %mul3A_29 {strides = array<i32>} : memref<10240x64xf32, #tpu.memory_space<vmem>>, vector<10240x64xf32>,
    return
  }
}

module attributes {stable_mosaic.version = 14 : i64} {
  func.func @_k6_body(%arg0: memref<10240x64xf32, #tpu.memory_space<vmem>>, %arg1: memref<2x10240x64xf32, #tpu.memory_space<vmem>>, %arg2: memref<10240x1xf32, #tpu.memory_space<vmem>>, %arg3: memref<1x64xf32, #tpu.memory_space<vmem>>, %arg4: memref<10240x1xi32, #tpu.memory_space<vmem>>, %arg5: memref<64x10xf32, #tpu.memory_space<vmem>>, %arg6: memref<1x10xf32, #tpu.memory_space<vmem>>, %arg7: memref<128x10xf32, #tpu.memory_space<vmem>>) attributes {dimension_semantics = [], scalar_prefetch = 0 : i64, scratch_operands = 0 : i64, tpu.core_type = #tpu.core_type<tc>} {
    %get3A = arith.constant 0 : index
    %get3A_0 = arith.constant 0 : index
    %get3A_1 = vector.load %arg2[%get3A, %get3A_0] : memref<10240x1xf32, #tpu.memory_space<vmem>>, vector<10240x1xf32>
    %get3A_2 = arith.constant 0 : index
    %get3A_3 = arith.constant 0 : index
    %get3A_4 = vector.load %arg0[%get3A_2, %get3A_3] : memref<10240x64xf32, #tpu.memory_space<vmem>>, vector<10240x64xf32>
    %get3A_5 = arith.constant 0 : index
    %get3A_6 = arith.constant 0 : index
    %get3A_7 = arith.constant 0 : index
    %get3A_8 = vector.load %arg1[%get3A_5, %get3A_6, %get3A_7] : memref<2x10240x64xf32, #tpu.memory_space<vmem>>, vector<1x10240x64xf32>
    %get3A_9 = vector.shape_cast %get3A_8 : vector<1x10240x64xf32> to vector<10240x64xf32>
    %add3A = arith.addf %get3A_4, %get3A_9 : vector<10240x64xf32>
    %get3A_10 = arith.constant 1 : index
    %get3A_11 = arith.constant 0 : index
    %get3A_12 = arith.constant 0 : index
    %get3A_13 = vector.load %arg1[%get3A_10, %get3A_11, %get3A_12] : memref<2x10240x64xf32, #tpu.memory_space<vmem>>, vector<1x10240x64xf32>
    %get3A_14 = vector.shape_cast %get3A_13 : vector<1x10240x64xf32> to vector<10240x64xf32>
    %add3A_15 = arith.addf %add3A, %get3A_14 : vector<10240x64xf32>
    %mul3A = vector.broadcast %get3A_1 : vector<10240x1xf32> to vector<10240x64xf32>
    %mul3A_16 = arith.mulf %mul3A, %add3A_15 : vector<10240x64xf32>
    %get3A_17 = arith.constant 0 : index
    %get3A_18 = arith.constant 0 : index
    %get3A_19 = vector.load %arg3[%get3A_17, %get3A_18] : memref<1x64xf32, #tpu.memory_space<vmem>>, vector<1x64xf32>
    %add3A_20 = vector.broadcast %get3A_19 : vector<1x64xf32> to vector<10240x64xf32>
    %add3A_21 = arith.addf %mul3A_16, %add3A_20 : vector<10240x64xf32>
    %max3A = arith.constant 0.000000e+00 : f32
    %max3A_22 = vector.broadcast %max3A : f32 to vector<10240x64xf32>
    %max3A_23 = arith.maximumf %add3A_21, %max3A_22 : vector<10240x64xf32>
    %get3A_24 = arith.constant 0 : index
    %get3A_25 = arith.constant 0 : index
    %get3A_26 = vector.load %arg4[%get3A_24, %get3A_25] : memref<10240x1xi32, #tpu.memory_space<vmem>>, vector<10240x1xi32>
    %iota3A = tpu.iota {dimensions = array<i32: 1>} : vector<1x128xi32>
    %eq3A = vector.broadcast %get3A_26 : vector<10240x1xi32> to vector<10240x128xi32>
    %eq3A_27 = vector.broadcast %iota3A : vector<1x128xi32> to vector<10240x128xi32>
    %eq3A_28 = arith.cmpi eq, %eq3A, %eq3A_27 : vector<10240x128xi32>
    %convert_element_type3A = arith.extui %eq3A_28 : vector<10240x128xi1> to vector<10240x128xi32>
    %convert_element_type3A_29 = arith.sitofp %convert_element_type3A : vector<10240x128xi32> to vector<10240x128xf32>
    %dot_general3A = arith.constant dense<0.000000e+00> : vector<128x64xf32>
    %dot_general3A_30 = tpu.matmul %convert_element_type3A_29, %max3A_23, %dot_general3A {dimension_numbers = #tpu.dot_dimension_numbers<[0], [0], [1], [1], [0, 1, 1, 1], [], []>, transpose_lhs_hint = false} : vector<10240x128xf32>, vector<10240x64xf32>, vector<128x64xf32> -> vector<128x64xf32>
    %reduce_sum3A = arith.constant dense<0.000000e+00> : vector<128xf32>
    %reduce_sum3A_31 = vector.multi_reduction <add>, %convert_element_type3A_29, %reduce_sum3A [0] : vector<10240x128xf32> to vector<128xf32>
    %broadcast_in_dim3A = vector.shape_cast %reduce_sum3A_31 : vector<128xf32> to vector<128x1xf32>
    %max3A_32 = arith.constant 1.000000e+00 : f32
    %max3A_33 = vector.broadcast %max3A_32 : f32 to vector<128x1xf32>
    %max3A_34 = arith.maximumf %broadcast_in_dim3A, %max3A_33 : vector<128x1xf32>
    %div3A = vector.broadcast %max3A_34 : vector<128x1xf32> to vector<128x64xf32>
    %div3A_35 = arith.divf %dot_general3A_30, %div3A : vector<128x64xf32>
    %get3A_36 = arith.constant 0 : index
    %get3A_37 = arith.constant 0 : index
    %get3A_38 = vector.load %arg5[%get3A_36, %get3A_37] : memref<64x10xf32, #tpu.memory_space<vmem>>, vector<64x10xf32>
    %dot_general3A_39 = arith.constant dense<0.000000e+00> : vector<128x10xf32>
    %dot_general3A_40 = tpu.matmul %div3A_35, %get3A_38, %dot_general3A_39 {dimension_numbers = #tpu.dot_dimension_numbers<[1], [0], [0], [1], [0, 0, 1, 1], [], []>, transpose_lhs_hint = false} : vector<128x64xf32>, vector<64x10xf32>, vector<128x10xf32> -> vector<128x10xf32>
    %get3A_41 = arith.constant 0 : index
    %get3A_42 = arith.constant 0 : index
    %get3A_43 = vector.load %arg6[%get3A_41, %get3A_42] : memref<1x10xf32, #tpu.memory_space<vmem>>, vector<1x10xf32>
    %add3A_44 = vector.broadcast %get3A_43 : vector<1x10xf32> to vector<128x10xf32>
    %add3A_45 = arith.addf %dot_general3A_40, %add3A_44 : vector<128x10xf32>
    %reduce_max3A = arith.constant dense<0xFF800000> : vector<128xf32>
    %reduce_max3A_46 = vector.multi_reduction <maximumf>, %add3A_45, %reduce_max3A [1] : vector<128x10xf32> to vector<128xf32>
    %broadcast_in_dim3A_47 = vector.shape_cast %reduce_max3A_46 : vector<128xf32> to vector<128x1xf32>
    %sub3A = vector.broadcast %broadcast_in_dim3A_47 : vector<128x1xf32> to vector<128x10xf32>
    %sub3A_48 = arith.subf %add3A_45, %sub3A : vector<128x10xf32>
    %exp3A = math.exp %sub3A_48 : vector<128x10xf32>
    %reduce_sum3A_49 = arith.constant dense<0.000000e+00> : vector<128xf32>
    %reduce_sum3A_50 = vector.multi_reduction <add>, %exp3A, %reduce_sum3A_49 [1] : vector<128x10xf32> to vector<128xf32>
    %broadcast_in_dim3A_51 = vector.shape_cast %reduce_sum3A_50 : vector<128xf32> to vector<128x1xf32>
    %log3A = math.log %broadcast_in_dim3A_51 : vector<128x1xf32>
    %sub3A_52 = vector.broadcast %log3A : vector<128x1xf32> to vector<128x10xf32>
    %sub3A_53 = arith.subf %sub3A_48, %sub3A_52 : vector<128x10xf32>
    %swap3A = arith.constant 0 : index
    %swap3A_54 = arith.constant 0 : index
    %swap3A_55 = vector.load %arg7[%swap3A, %swap3A_54] : memref<128x10xf32, #tpu.memory_space<vmem>>, vector<128x10xf32>
    tpu.vector_store %arg7[%swap3A, %swap3A_54], %sub3A_53 {strides = array<i32>} : memref<128x10xf32, #tpu.memory_space<vmem>>, vector<128x10xf32>,
    return
  }
}

</mosaic_0001>

<sc_bundles>
// kernel: kernel.11.cloned.1.call-start
scs
__scs_entry_jumppad:
0x0: {  	(pc) =	sbr.rel $0x88, $3  }
0x1: {  	(tag) =	ssettag $0x0;
	lr =	simm.s32 $0x1  }
0x2: {  	[smem:$0x3F98] =	sst lr;
	_ =	strace $0xD0000000  }
0x3: {  	_ = 	snop  }
0x4: {  	_ = 	snop  }
0x5: {  	_ = 	snop  }
0x6: {  	_ = 	snop  }
0x7: {  	_ = 	snop  }
__scs_overlays_trampoline_lowered:
0x8: {  	[smem:$0x3FA7] =	sst s0  }
0x9: {  	[smem:$0x3FA8] =	sst s1  }
0xa: {  	[smem:$0x3FA9] =	sst s2  }
0xb: {  	[smem:$0x3FAA] =	sst s3  }
0xc: {  	[smem:$0x3FAB] =	sst s4  }
0xd: {  	[smem:$0x3FAC] =	sst s5  }
0xe: {  	[smem:$0x3FAD] =	sst s6  }
0xf: {  	[smem:$0x3FAE] =	sst s7  }
0x10: {  	[smem:$0x3FAF] =	sst s8  }
0x11: {  	[smem:$0x3FB0] =	sst s9;
	s0 =	simm.s32 @!p0 $0x0  }
0x12: {  	s1 =	sld [smem:$0x3F96];
	s0 =	simm.s32 @p0 $0x1  }
0x13: {  	[smem:$0x3FB1] =	sst s0;
	s0 =	simm.s32 @!p1 $0x0  }
0x14: {  	s2 =	sld [smem:$0x3F95];
	s0 =	simm.s32 @p1 $0x1  }
0x15: {  	[smem:$0x3FB2] =	sst s0;
	s0 =	simm.s32 @!p2 $0x0  }
0x16: {  	s3 =	sld [smem:$0x3FDB];
	s0 =	simm.s32 @p2 $0x1  }
0x17: {  	s4 =	simm.s32 $0x1BF5;
	[smem:$0x3FB4] =	sst s0  }
0x18: {  	s0 =	sld [smem:$0x3F97];
	_ =	swait.ge [sflag:s4], $0x0  }
0x19: {  	s7 =	sld [smem:$0x3F98]  }
0x1a: {  	s8 =	sadd.s32 $0xFFFFE003, lr  }
0x1b: {  	s9 =	sadd.s32 $0xFFFFFEF7, lr;
	s5 =	simm.s32 $0xFFFFFFFF;
	p2 =	slt.u32 s8, $0xFFFFF086  }
0x1c: {  	p1 =	slt.u32 s9, $0xF7A;
	s5 =	simm.s32 @!p2 $0x0  }
0x1d: {  	s5 =	simm.s32 @p1 $0x1;
	p0 =	seq.s32 s7, s2  }
0x1e: {  	s7 =	smul.u32 @!p0 $0xF7A, s2;
	p2 =	seq.s32 @!p0 s5, $0x0  }
0x1f: {  	s9 =	smul.u32 $0xF7A, s1;
	s8 =	simm.s32 @!p0 $0x1BF5;
	p2 =	por !p2, p0  }
0x20: {  	[sflag:s8] =	ssyncset.s32 @!p0 $0xFFFFF086;
	s6 =	sadd.s32 @!p0 s3, s7;
	s7 =	simm.s32 @!p0 $0x108  }
0x21: {  	s3 =	sadd.s32 s3, s9;
	s6 =	sadd.s32 @!p0 $0x88, s6;
	s7 =	simm.s32 @p2 $0x1082  }
0x22: {  	[simem:s7], [sflag:s8] =	dma.local @!p0 [hbm:s6], $0xF7A  }
0x23: {  	s9 =	sor.u32 $0xD0000000, s2;
	s6 =	simm.s32 $0x108;
	_ =	swait.ge @!p0 [sflag:s8], $0x0  }
0x24: {  	s3 =	sadd.s32 $0x88, s3;
	s6 =	simm.s32 @!p1 $0x1082;
	[sflag:s4] =	ssyncset.s32 $0xFFFFF086  }
0x25: {  	[simem:s6], [sflag:s4] =	dma.local [hbm:s3], $0xF7A  }
0x26: {  	[smem:$0x3F98] =	sst s1;
	(tag) =	ssettag s2;
	_ =	strace s9  }
0x27: {  	s1 =	sld [smem:$0x3FA8]  }
0x28: {  	s2 =	sld [smem:$0x3FA9]  }
0x29: {  	s4 =	sld [smem:$0x3FAB]  }
0x2a: {  	p0 =	seq.s32 s5, $0x0;
	s5 =	sld [smem:$0x3FAC]  }
0x2b: {  	s6 =	sld [smem:$0x3FAD]  }
0x2c: {  	s7 =	sld [smem:$0x3FAE]  }
0x2d: {  	s3 =	simm.s32 $0x108;
	s8 =	sld [smem:$0x3FAF]  }
0x2e: {  	s3 =	simm.s32 @!p0 $0x1082;
	s9 =	sld [smem:$0x3FB0]  }
0x2f: {  	lr =	sadd.s32 s0, s3;
	s0 =	sld [smem:$0x3FA7]  }
0x30: {  	s3 =	sld [smem:$0x3FAA]  }
0x31: {  	[smem:$0x3FB3] =	sst s10  }
0x32: {  	s10 =	sld [smem:$0x3FB1];
	_ =	sdelay $0x3  }
0x33: {  	p0 =	seq.s32 s10, $0x1;
	s10 =	sld [smem:$0x3FB3];
	_ =	sdelay $0x3  }
0x34: {  	[smem:$0x3FB3] =	sst s10  }
0x35: {  	s10 =	sld [smem:$0x3FB2];
	_ =	sdelay $0x3  }
0x36: {  	p1 =	seq.s32 s10, $0x1;
	s10 =	sld [smem:$0x3FB3];
	_ =	sdelay $0x3  }
0x37: {  	[smem:$0x3FB3] =	sst s10  }
0x38: {  	s10 =	sld [smem:$0x3FB4]  }
0x39: {  	_ = 	snop;
	(pc) =	sbr.ind lr, $3  }
0x3a: {  	_ = 	snop  }
0x3b: {  	_ = 	snop  }
0x3c: {  	p2 =	seq.s32 s10, $0x1;
	s10 =	sld [smem:$0x3FB3]  }
0x3d: {  	_ =	shalt  }
0x3e: {  	_ =	shalt  }
0x3f: {  	_ =	shalt  }
0x40: {  	_ =	shalt  }
0x41: {  	_ =	shalt  }
0x42: {  	_ =	shalt  }
0x43: {  	_ =	shalt  }
0x44: {  	_ =	shalt  }
0x45: {  	_ =	shalt  }
0x46: {  	_ =	shalt  }
0x47: {  	_ =	shalt  }
0x48: {  	_ =	shalt  }
0x49: {  	_ =	shalt  }
0x4a: {  	_ =	shalt  }
0x4b: {  	_ =	shalt  }
0x4c: {  	_ =	shalt  }
0x4d: {  	_ =	shalt  }
0x4e: {  	_ =	shalt  }
0x4f: {  	_ =	shalt  }
0x50: {  	_ =	shalt  }
0x51: {  	_ =	shalt  }
0x52: {  	_ =	shalt  }
0x53: {  	_ =	shalt  }
0x54: {  	_ =	shalt  }
0x55: {  	_ =	shalt  }
0x56: {  	_ =	shalt  }
0x57: {  	_ =	shalt  }
0x58: {  	_ =	shalt  }
0x59: {  	_ =	shalt  }
0x5a: {  	_ =	shalt  }
0x5b: {  	_ =	shalt  }
0x5c: {  	_ =	shalt  }
0x5d: {  	_ =	shalt  }
0x5e: {  	_ =	shalt  }
0x5f: {  	_ =	shalt  }
0x60: {  	_ =	shalt  }
0x61: {  	_ =	shalt  }
0x62: {  	_ =	shalt  }
0x63: {  	_ =	shalt  }
0x64: {  	_ =	shalt  }
0x65: {  	_ =	shalt  }
0x66: {  	_ =	shalt  }
0x67: {  	_ =	shalt  }
0x68: {  	_ =	shalt  }
0x69: {  	_ =	shalt  }
0x6a: {  	_ =	shalt  }
0x6b: {  	_ =	shalt  }
0x6c: {  	_ =	shalt  }
0x6d: {  	_ =	shalt  }
0x6e: {  	_ =	shalt  }
0x6f: {  	_ =	shalt  }
0x70: {  	_ =	shalt  }
0x71: {  	_ =	shalt  }
0x72: {  	_ =	shalt  }
0x73: {  	_ =	shalt  }
0x74: {  	_ =	shalt  }
0x75: {  	_ =	shalt  }
0x76: {  	_ =	shalt  }
0x77: {  	_ =	shalt  }
0x78: {  	_ =	shalt  }
0x79: {  	_ =	shalt  }
0x7a: {  	_ =	shalt  }
0x7b: {  	_ =	shalt  }
0x7c: {  	_ =	shalt  }
0x7d: {  	_ =	shalt  }
0x7e: {  	_ =	shalt  }
0x7f: {  	_ =	shalt  }
0x80: {  	_ =	shalt  }
0x81: {  	_ =	shalt  }
0x82: {  	_ =	shalt  }
0x83: {  	_ =	shalt  }
0x84: {  	_ =	shalt  }
0x85: {  	_ =	shalt  }
0x86: {  	_ =	shalt  }
0x87: {  	_ =	shalt  }
.Lfunc_end0:
.L_simem_size_0:
called_computation.1_lowered:
.L_overlay_start_0:
0x88: {  	s2 =	sld [smem:$0x3FD9]  }
0x89: {  	s3 =	sld [smem:$0x3FFE];
	_ =	sdelay $0x1  }
0x8a: {  	s1 =	srdreg.scid  }
0x8b: {  	s0 =	sand.u32 $0x1, s1  }
0x8c: {  	s16 =	sshll.u32 s0, $0xA;
	s2 =	sadd.s32 s3, s2  }
0x8d: {  	s2 =	sadd.s32 s2, s16  }
0x8e: {  	[smem:$0x3FBF] =	sst s2  }
0x8f: {  	_ = 	snop  }
0x90: {  	(tm) =	ssettm $0x1  }
0x91: {  	s17 =	sld [smem:$0x3FFB];
	_ =	sdelay $0x3  }
0x92: {  	_ =	strace s17  }
0x93: {  	s2 =	sld [smem:$0x3FFC];
	_ =	sdelay $0x3  }
0x94: {  	_ =	strace s2  }
0x95: {  	s2 =	sld [smem:$0x3FFD];
	_ =	sdelay $0x3  }
0x96: {  	_ =	strace s2  }
0x97: {  	_ =	strace $0x8FFFFFFF  }
0x98: {  	s18 =	sld [smem:$0x3FDB];
	_ =	sdelay $0x1  }
0x99: {  	s19 =	simm.s32 $_scs_section_size  }
0x9a: {  	s4 =	simm.s32 $_size__tile_overlayer_lowered;
	s5 =	simm.s32 $_tile_overlayer_lowered  }
0x9b: {  	s22 =	simm.s32 $0x1BFF;
	s21 =	sshll.u32 s5, $0x1;
	s2 =	sadd.s32 s19, s18  }
0x9c: {  	s6 =	simm.s32 $0x0;
	s20 =	sshll.u32 s4, $0x1;
	s4 =	sadd.s32 s21, s2  }
0x9d: {  	[timem:s6], [sflag:s22] =	dma.local [hbm:s4], s20  }
0x9e: {  	_ =	swait.ge [sflag:s22], s20  }
0x9f: {  	s3 =	ssub.s32 $0x0, s20;
	[sflag:s22] =	ssyncset.done $0x0  }
0xa0: {  	[sflag:s22] =	ssyncadd.s32 s3;
	_ =	sdelay $0x1  }
0xa1: {  	s23 =	simm.s32 $0x1B8B  }
0xa2: {  	_ =	swait.ge [sflag:s23], $0x1  }
0xa3: {  	[sflag:s23] =	ssyncset.done $0x0  }
0xa4: {  	s25 =	simm.s32 $0x1B8E;
	s24 =	sld [smem:$0x3FFE];
	[sflag:s23] =	ssyncadd.s32 $0xFFFFFFFF  }
0xa5: {  	s26 =	simm.s32 $execute0_lowered;
	[smem:$0x3FD2] =	sst s25  }
0xa6: {  	s4 =	sshll.u32 s26, $0x1;
	_ =	strace $0x80000049;
	[dreg:$0x1] =	wrdreg $0xFFFFFFFF  }
0xa7: {  	s28 =	simm.s32 $_size_execute0_lowered;
	s2 =	sadd.s32 s2, s4;
	[dreg:$0x0] =	wrdreg $0x0  }
0xa8: {  	s4 =	sshll.u32 s28, $0x1;
	[dreg:$0x2] =	wrdreg s2  }
0xa9: {  	[dreg:$0x3] =	wrdreg s4  }
0xaa: {  	[dreg:$0x4] =	wrdreg $0xC0  }
0xab: {  	_ =	task [dreg:s6], $0x5FFFF  }
0xac: {  	[dreg:$0x1] =	wrdreg $0xFFFFFFFF  }
0xad: {  	[dreg:$0x0] =	wrdreg $0x60  }
0xae: {  	[dreg:$0x2] =	wrdreg s24  }
0xaf: {  	[dreg:$0x3] =	wrdreg $0x138000  }
0xb0: {  	[dreg:$0x4] =	wrdreg $0x9  }
0xb1: {  	_ =	task.clear_ibuf [dreg:s6], $0x5FFFF;
	_ =	strace $0x90000049  }
0xb2: {  	s29 =	simm.s32 $0x9;
	_ =	strace $0x8000004B  }
0xb3: {  	_ =	swait.ge [sflag:s29], $0x1  }
0xb4: {  	[sflag:s29] =	ssyncadd.s32 $0xFFFFFFFF  }
0xb5: {  	_ =	strace $0x9000004B  }
0xb6: {  	_ =	sfence  }
0xb7: {  	s30 =	sld [smem:$0x0];
	_ =	sdelay $0x2  }
0xb8: {  	s31 =	sshll.u32 s1, $0xD;
	s1 =	sshrl.u32 s1, $0x2  }
0xb9: {  	s3 =	sand.u32 $0x4000, s31;
	s1 =	sadd.s32 s1, s30  }
0xba: {  	s0 =	sor.u32 s3, s0;
	s1 =	sshll.u32 s1, $0x11  }
0xbb: {  	s0 =	sor.u32 s1, s0  }
0xbc: {  	s0 =	sadd.s32 $0x8F2B, s0  }
0xbd: {  	[sflag:s0] =	ssyncadd.remote.s32 $0x1  }
0xbe: {  	_ =	sfence.sel $0xFFFF  }
0xbf: {  	[dreg:$0x0] =	wrdreg $0xFFFFFFFF;
	(pc) =	sbr.abs _section_cstart, $3  }
0xc0: {  	[dreg:$0x1] =	wrdreg $0xFFFFFFFF  }
0xc1: {  	_ =	task.clear_ibuf [dreg:s6], $0x2FFFF;
	_ =	strace $0x9FFFFFFF  }
0xc2: {  	(tm) =	ssettm $0x7FFFFFFF  }
0xc3: {  	_ =	shalt  }
tec
execute0_lowered:
.L_overlay_start_1:
0x0: {  	(tag) =	ssettag $0x1  }
0x1: {  	s0 =	srdreg.scid;
	s5 =	rddreg [dreg:$0x0]  }
0x2: {  	s8 =	stileid.u32;
	s2 =	rddreg [dreg:$0x1]  }
0x3: {  	s3 =	simm.s32 $0x0;
	s13 =	simm.s32 $0x11000;
	s14 =	simm.s32 $0x7  }
0x4: {  	s16 =	simm.s32 $0x100;
	s17 =	simm.s32 $0x5000;
	s18 =	simm.s32 $0x9000  }
0x5: {  	s20 =	simm.s32 $0xD000;
	s21 =	simm.s32 $0x1;
	s22 =	simm.s32 $0x2  }
0x6: {  	s23 =	simm.s32 $0x3;
	s24 =	simm.s32 $0x4;
	s25 =	simm.s32 $0x5  }
0x7: {  	s26 =	simm.s32 $0x6;
	s28 =	simm.s32 $0x4C00;
	s29 =	simm.s32 $0x4D00  }
0x8: {  	s30 =	simm.s32 $0x4E00;
	s31 =	simm.s32 $0x2700;
	s0 =	sand.u32 $0x1, s0  }
0x9: {  	s1 =	sshll.u32 s8, $0x1;
	s6 =	smul.u32 $0xA000, s8;
	[smem:$0x7FF] =	sst s3  }
0xa: {  	s4 =	sadd.s32 $0x16000, s5;
	s8 =	smul.u32 $0x28000, s8;
	s1 =	sor.u32 s0, s1  }
0xb: {  	s7 =	smul.u32 $0xA0000, s0;
	_ =	strace $0x8000004A;
	s0 =	ssub.s32 $0x2, s0  }
0xc: {  	s1 =	smul.u32 $0x500, s1;
	s9 =	sshrl.u32 s0, $0x1;
	s8 =	sshrl.u32 s8, $0x2  }
0xd: {  	s7 =	sadd.s32 s6, s7;
	s0 =	ssub.s32 s0, s9;
	s8 =	sadd.s32 s8, s2  }
0xe: {  	s1 =	sadd.s32 s1, s5;
	s7 =	sshrl.u32 s7, $0x3;
	s12 =	smax.u32 s0, $0x1  }
0xf: {  	s11 =	sadd.s32 s7, s5;
	s5 =	sadd.s32 s6, s2;
	s6 =	sadd.s32 $0x2800, s8  }
0x10: {  	s7 =	sadd.s32 $0x5000, s8;
	s8 =	sadd.s32 $0x7800, s8;
	s9 =	sadd.s32 $0x2000, s1  }
0x11: {  	v0 =	vimm.f32 $0.0e+00;
	s10 =	sadd.s32 $0xC000, s1;
	s1 =	simm.s32 $0x4F00;
	s11 =	sadd.s32 $0x2A000, s11  }
.LBB2_1:
0x12: {  	s15 =	simm.s32 $0x100;
	s0 =	simm.s32 $0x0  }
.LBB2_2:
0x13: {  	p0 =	sne.s32 s15, $0x9F00;
	[tilespmem:s0+$0x11030] =	vst v0;
	s19 =	smov.u32 s15;
	s15 =	sadd.s32 $0x100, s15  }
.Ltmp0:
0x14: {  	[tilespmem:s0+$0x11020] =	vst v0;
	(pc) =	sbr.rel @p0 .LBB2_2-.Ltmp0, $3  }
0x15: {  	[tilespmem:s0+$0x11000] =	vst v0  }
0x16: {  	[tilespmem:s0+$0x11010] =	vst v0;
	_ =	sdelay $0x1  }
0x17: {  	s0 =	sshra.s32 s19, $0x2  }
0x18: {  	[tilespmem:s0+$0x11030] =	vst v0  }
0x19: {  	[tilespmem:s0+$0x11020] =	vst v0  }
0x1a: {  	[tilespmem:s0+$0x11000] =	vst v0  }
0x1b: {  	[tilespmem:s0+$0x11010] =	vst v0  }
0x1c: {  	[spmem:s5] =	stream.linear.scatter [tilespmem:s13], [sflag:$0x7], $0x2800, $0x38;
	[tilespmem:$0x1D800] =	vst v63  }
0x1d: {  	_ =	swait.ge [sflag:s14], $0x2800  }
0x1e: {  	[sflag:s14] =	ssyncset.done $0x0  }
0x1f: {  	[sflag:s14] =	ssyncadd.s32 $0xFFFFD800  }
0x20: {  	[spmem:s6] =	stream.linear.scatter [tilespmem:s13], [sflag:$0x7], $0x2800, $0x38;
	[tilespmem:$0x1D800] =	vst v63  }
0x21: {  	_ =	swait.ge [sflag:s14], $0x2800  }
0x22: {  	[sflag:s14] =	ssyncset.done $0x0  }
0x23: {  	[sflag:s14] =	ssyncadd.s32 $0xFFFFD800  }
0x24: {  	[spmem:s7] =	stream.linear.scatter [tilespmem:s13], [sflag:$0x7], $0x2800, $0x38;
	[tilespmem:$0x1D800] =	vst v63  }
0x25: {  	_ =	swait.ge [sflag:s14], $0x2800  }
0x26: {  	[sflag:s14] =	ssyncset.done $0x0  }
0x27: {  	[sflag:s14] =	ssyncadd.s32 $0xFFFFD800  }
0x28: {  	[spmem:s8] =	stream.linear.scatter [tilespmem:s13], [sflag:$0x7], $0x2800, $0x38;
	[tilespmem:$0x1D800] =	vst v63  }
0x29: {  	_ =	swait.ge [sflag:s14], $0x2800  }
0x2a: {  	[sflag:s14] =	ssyncset.done $0x0  }
0x2b: {  	[sflag:s14] =	ssyncadd.s32 $0xFFFFD800  }
0x2c: {  	s19 =	simm.s32 $0x0;
	[bflag:$0x0] =	sbarrier.arrive $0xFFFF  }
0x2d: {  	[tilespmem:s19], [sflag:$0x7] =	stream.linear.gather [hbm4b:s9+s19], $0x2800, $0x38;
	[tilespmem:$0x1D800] =	vst v63  }
0x2e: {  	_ =	swait.ge [sflag:s14], $0x2800  }
0x2f: {  	[sflag:s14] =	ssyncset.done $0x0  }
0x30: {  	s15 =	simm.s32 $0x2800;
	[sflag:s14] =	ssyncadd.s32 $0xFFFFD800  }
0x31: {  	[tilespmem:s15], [sflag:$0x7] =	stream.linear.gather [hbm4b:s10+s19], $0x2800, $0x38;
	[tilespmem:$0x1D800] =	vst v63  }
0x32: {  	_ =	swait.ge [sflag:s14], $0x2800  }
0x33: {  	[sflag:s14] =	ssyncset.done $0x0  }
0x34: {  	[sflag:s14] =	ssyncadd.s32 $0xFFFFD800  }
0x35: {  	[tilespmem:s17], [sflag:$0x1] =	stream.indirect.gather [hbm4b:s4+s16], $0x40, s19, s16, $0xb8;
	[tilespmem:$0x1D800] =	vst v63  }
0x36: {  	_ = 	snop  }
0x37: {  	[tilespmem:s18], [sflag:$0x2] =	stream.indirect.gather [hbm4b:s4+s16], $0x40, s16, s16, $0xb8;
	[tilespmem:$0x1D800] =	vst v63  }
0x38: {  	s15 =	simm.s32 $0x200  }
0x39: {  	[tilespmem:s20], [sflag:$0x3] =	stream.indirect.gather [hbm4b:s4+s16], $0x40, s15, s16, $0xb8;
	[tilespmem:$0x1D800] =	vst v63  }
0x3a: {  	_ =	swait.ge [sflag:s21], $0x4000  }
0x3b: {  	[sflag:s21] =	ssyncset.done $0x0  }
0x3c: {  	s19 =	simm.s32 $0x2800;
	[sflag:s21] =	ssyncadd.s32 $0xFFFFC000  }
0x3d: {  	[spmem:s2] =	stream.indirect.scatter.add.f32 [tilespmem:s17], [sflag:$0x4], $0x40, s19, s16, $0xb8;
	[tilespmem:$0x1D800] =	vst v63  }
0x3e: {  	_ =	swait.ge [sflag:s22], $0x4000  }
0x3f: {  	[sflag:s22] =	ssyncset.done $0x0  }
0x40: {  	s15 =	simm.s32 $0x2900;
	[sflag:s22] =	ssyncadd.s32 $0xFFFFC000  }
0x41: {  	[spmem:s2] =	stream.indirect.scatter.add.f32 [tilespmem:s18], [sflag:$0x5], $0x40, s15, s16, $0xb8;
	[tilespmem:$0x1D800] =	vst v63  }
0x42: {  	_ =	swait.ge [sflag:s23], $0x4000  }
0x43: {  	[sflag:s23] =	ssyncset.done $0x0  }
0x44: {  	s19 =	simm.s32 $0x2A00;
	[sflag:s23] =	ssyncadd.s32 $0xFFFFC000  }
0x45: {  	[spmem:s2] =	stream.indirect.scatter.add.f32 [tilespmem:s20], [sflag:$0x6], $0x40, s19, s16, $0xb8;
	[tilespmem:$0x1D800] =	vst v63  }
0x46: {  	_ =	swait.ge [sflag:s24], $0x4000  }
0x47: {  	[sflag:s24] =	ssyncset.done $0x0  }
0x48: {  	s15 =	simm.s32 $0x300;
	[sflag:s24] =	ssyncadd.s32 $0xFFFFC000  }
0x49: {  	[tilespmem:s17], [sflag:$0x1] =	stream.indirect.gather [hbm4b:s4+s16], $0x40, s15, s16, $0xb8;
	[tilespmem:$0x1D800] =	vst v63  }
0x4a: {  	_ =	swait.ge [sflag:s25], $0x4000  }
0x4b: {  	[sflag:s25] =	ssyncset.done $0x0  }
0x4c: {  	s19 =	simm.s32 $0x400;
	[sflag:s25] =	ssyncadd.s32 $0xFFFFC000  }
0x4d: {  	[tilespmem:s18], [sflag:$0x2] =	stream.indirect.gather [hbm4b:s4+s16], $0x40, s19, s16, $0xb8;
	[tilespmem:$0x1D800] =	vst v63  }
0x4e: {  	_ =	swait.ge [sflag:s26], $0x4000  }
0x4f: {  	[sflag:s26] =	ssyncset.done $0x0  }
0x50: {  	s0 =	simm.s32 $0xC00;
	s15 =	simm.s32 $0x500;
	[sflag:s26] =	ssyncadd.s32 $0xFFFFC000  }
.LBB2_4:
0x51: {  	[tilespmem:s20], [sflag:$0x3] =	stream.indirect.gather [hbm4b:s4+s16], $0x40, s15, s16, $0xb8;
	[tilespmem:$0x1D800] =	vst v63  }
0x52: {  	s15 =	smov.u32 s0  }
0x53: {  	p0 =	sne.s32 s0, $0x8400;
	s0 =	sadd.s32 $0xC00, s0;
	_ =	swait.ge [sflag:s21], $0x4000  }
0x54: {  	s15 =	sshra.s32 s15, $0x2;
	[sflag:s21] =	ssyncset.done $0x0  }
0x55: {  	s19 =	sadd.s32 $0x2800, s15;
	[sflag:s21] =	ssyncadd.s32 $0xFFFFC000  }
0x56: {  	[spmem:s2] =	stream.indirect.scatter.add.f32 [tilespmem:s17], [sflag:$0x4], $0x40, s19, s16, $0xb8;
	[tilespmem:$0x1D800] =	vst v63  }
0x57: {  	_ =	swait.ge [sflag:s22], $0x4000  }
0x58: {  	[sflag:s22] =	ssyncset.done $0x0  }
0x59: {  	s19 =	sadd.s32 $0x2900, s15;
	[sflag:s22] =	ssyncadd.s32 $0xFFFFC000  }
0x5a: {  	[spmem:s2] =	stream.indirect.scatter.add.f32 [tilespmem:s18], [sflag:$0x5], $0x40, s19, s16, $0xb8;
	[tilespmem:$0x1D800] =	vst v63  }
0x5b: {  	_ =	swait.ge [sflag:s23], $0x4000  }
0x5c: {  	[sflag:s23] =	ssyncset.done $0x0  }
0x5d: {  	s19 =	sadd.s32 $0x2A00, s15;
	[sflag:s23] =	ssyncadd.s32 $0xFFFFC000  }
0x5e: {  	[spmem:s2] =	stream.indirect.scatter.add.f32 [tilespmem:s20], [sflag:$0x6], $0x40, s19, s16, $0xb8;
	[tilespmem:$0x1D800] =	vst v63  }
0x5f: {  	_ =	swait.ge [sflag:s24], $0x4000  }
0x60: {  	[sflag:s24] =	ssyncset.done $0x0  }
0x61: {  	s19 =	sadd.s32 $0x300, s15;
	[sflag:s24] =	ssyncadd.s32 $0xFFFFC000  }
0x62: {  	[tilespmem:s17], [sflag:$0x1] =	stream.indirect.gather [hbm4b:s4+s16], $0x40, s19, s16, $0xb8;
	[tilespmem:$0x1D800] =	vst v63  }
0x63: {  	_ =	swait.ge [sflag:s25], $0x4000  }
0x64: {  	[sflag:s25] =	ssyncset.done $0x0  }
.Ltmp1:
0x65: {  	s19 =	sadd.s32 $0x400, s15;
	[sflag:s25] =	ssyncadd.s32 $0xFFFFC000;
	(pc) =	sbr.rel @p0 .LBB2_4-.Ltmp1, $4  }
0x66: {  	[tilespmem:s18], [sflag:$0x2] =	stream.indirect.gather [hbm4b:s4+s16], $0x40, s19, s16, $0xb8;
	[tilespmem:$0x1D800] =	vst v63  }
0x67: {  	_ =	swait.ge [sflag:s26], $0x4000  }
0x68: {  	[sflag:s26] =	ssyncset.done $0x0  }
0x69: {  	s15 =	sadd.s32 $0x500, s15;
	[sflag:s26] =	ssyncadd.s32 $0xFFFFC000  }
0x6a: {  	[tilespmem:s20], [sflag:$0x3] =	stream.indirect.gather [hbm4b:s4+s16], $0x40, s15, s16, $0xb8;
	[tilespmem:$0x1D800] =	vst v63  }
0x6b: {  	_ =	swait.ge [sflag:s21], $0x4000  }
0x6c: {  	[sflag:s21] =	ssyncset.done $0x0  }
0x6d: {  	[sflag:s21] =	ssyncadd.s32 $0xFFFFC000  }
0x6e: {  	[spmem:s2] =	stream.indirect.scatter.add.f32 [tilespmem:s17], [sflag:$0x4], $0x40, s28, s16, $0xb8;
	[tilespmem:$0x1D800] =	vst v63  }
0x6f: {  	_ =	swait.ge [sflag:s22], $0x4000  }
0x70: {  	[sflag:s22] =	ssyncset.done $0x0  }
0x71: {  	[sflag:s22] =	ssyncadd.s32 $0xFFFFC000  }
0x72: {  	[spmem:s2] =	stream.indirect.scatter.add.f32 [tilespmem:s18], [sflag:$0x5], $0x40, s29, s16, $0xb8;
	[tilespmem:$0x1D800] =	vst v63  }
0x73: {  	_ =	swait.ge [sflag:s23], $0x4000  }
0x74: {  	[sflag:s23] =	ssyncset.done $0x0  }
0x75: {  	[sflag:s23] =	ssyncadd.s32 $0xFFFFC000  }
0x76: {  	[spmem:s2] =	stream.indirect.scatter.add.f32 [tilespmem:s20], [sflag:$0x6], $0x40, s30, s16, $0xb8;
	[tilespmem:$0x1D800] =	vst v63  }
0x77: {  	_ =	swait.ge [sflag:s24], $0x4000  }
0x78: {  	[sflag:s24] =	ssyncset.done $0x0  }
0x79: {  	[sflag:s24] =	ssyncadd.s32 $0xFFFFC000  }
0x7a: {  	[tilespmem:s17], [sflag:$0x1] =	stream.indirect.gather [hbm4b:s4+s16], $0x40, s31, s16, $0xb8;
	[tilespmem:$0x1D800] =	vst v63  }
0x7b: {  	_ =	swait.ge [sflag:s25], $0x4000  }
0x7c: {  	[sflag:s25] =	ssyncset.done $0x0  }
0x7d: {  	[sflag:s25] =	ssyncadd.s32 $0xFFFFC000  }
0x7e: {  	_ =	swait.ge [sflag:s26], $0x4000  }
0x7f: {  	[sflag:s26] =	ssyncset.done $0x0  }
0x80: {  	[sflag:s26] =	ssyncadd.s32 $0xFFFFC000  }
0x81: {  	_ =	swait.ge [sflag:s21], $0x4000  }
0x82: {  	[sflag:s21] =	ssyncset.done $0x0  }
0x83: {  	[sflag:s21] =	ssyncadd.s32 $0xFFFFC000  }
0x84: {  	[spmem:s2] =	stream.indirect.scatter.add.f32 [tilespmem:s17], [sflag:$0x7], $0x40, s1, s16, $0xb8;
	[tilespmem:$0x1D800] =	vst v63  }
0x85: {  	s0 =	stileid.u32;
	_ =	swait.ge [sflag:s14], $0x4000  }
0x86: {  	s19 =	sshrl.u32 s5, $0x3;
	s3 =	sadd.s32 $0x1, s3;
	[sflag:s14] =	ssyncset.done $0x0  }
0x87: {  	s0 =	sshll.u32 s0, $0x6;
	p0 =	sne.s32 s3, s12;
	[sflag:s14] =	ssyncadd.s32 $0xFFFFC000  }
.Ltmp2:
0x88: {  	s0 =	sor.u32 $0x1C07, s0;
	[bflag:$0x0] =	sbarrier.arrive $0xFFFF;
	(pc) =	sbr.rel @p0 .LBB2_1-.Ltmp2, $4  }
0x89: {  	[hbm:s11], [sflag:s0] =	dma.local [spmem:s19], $0x1400  }
0x8a: {  	_ =	swait.ge [sflag:s14], $0x1400  }
0x8b: {  	[sflag:s14] =	ssyncset.done $0x0  }
0x8c: {  	[sflag:s14] =	ssyncadd.s32 $0xFFFFEC00  }
0x8d: {  	_ =	sfence.sel $0x180000  }
0x8e: {  	[bflag:$0x0] =	sbarrier.arrive $0xFFFF  }
0x8f: {  	_ =	strace $0x9000004A  }
0x90: {  	s0 =	stileid.u32;
	[bflag:$0x2] =	sbarrier.arrive $0xFFFF  }
0x91: {  	p0 =	sne.s32 s0, $0x0;
	s0 =	rddreg [dreg:$0x2]  }
0x92: {  	s0 =	sadd.s32 @!p0 $0x100000, s0  }
0x93: {  	[sflag:s0] =	ssyncadd.tile.s32 @!p0 $0x1;
	_ =	shalt  }
.Lfunc_end2:
_tile_overlayer_lowered:
.L_overlay_start_2:
0x94: {  	(tag) =	ssettag $0x2  }
0x95: {  	s0 =	rddreg [dreg:$0x0];
	s2 =	stileid.u32  }
0x96: {  	s1 =	rddreg [dreg:$0x1];
	p0 =	sne.s32 s2, $0x0  }
0x97: {  	s3 =	rddreg [dreg:$0x2];
	[bflag:$0x3] =	sbarrier.arrive $0xFFFF;
	s2 =	simm.s32 @!p0 $0x1C07  }
0x98: {  	[timem:s3], [sflag:s2] =	dma.local @!p0 [hbm:s0], s1  }
0x99: {  	s0 =	simm.s32 @!p0 $0x7  }
0x9a: {  	_ =	swait.ge @!p0 [sflag:s0], s1  }
0x9b: {  	s1 =	ssub.s32 @!p0 $0x0, s1;
	[sflag:s0] =	ssyncset.done @!p0 $0x0  }
0x9c: {  	[sflag:s0] =	ssyncadd.s32 @!p0 s1  }
0x9d: {  	[bflag:$0x3] =	sbarrier.arrive $0xFFFF  }
0x9e: {  	_ =	shalt  }

// kernel: kernel.14.cloned.1.call-start
scs
__scs_entry_jumppad:
0x0: {  	(pc) =	sbr.rel $0x88, $3  }
0x1: {  	(tag) =	ssettag $0x0;
	lr =	simm.s32 $0x1  }
0x2: {  	[smem:$0x3F98] =	sst lr;
	_ =	strace $0xD0000000  }
0x3: {  	_ = 	snop  }
0x4: {  	_ = 	snop  }
0x5: {  	_ = 	snop  }
0x6: {  	_ = 	snop  }
0x7: {  	_ = 	snop  }
__scs_overlays_trampoline_lowered:
0x8: {  	[smem:$0x3FA7] =	sst s0  }
0x9: {  	[smem:$0x3FA8] =	sst s1  }
0xa: {  	[smem:$0x3FA9] =	sst s2  }
0xb: {  	[smem:$0x3FAA] =	sst s3  }
0xc: {  	[smem:$0x3FAB] =	sst s4  }
0xd: {  	[smem:$0x3FAC] =	sst s5  }
0xe: {  	[smem:$0x3FAD] =	sst s6  }
0xf: {  	[smem:$0x3FAE] =	sst s7  }
0x10: {  	[smem:$0x3FAF] =	sst s8  }
0x11: {  	[smem:$0x3FB0] =	sst s9;
	s0 =	simm.s32 @!p0 $0x0  }
0x12: {  	s1 =	sld [smem:$0x3F96];
	s0 =	simm.s32 @p0 $0x1  }
0x13: {  	[smem:$0x3FB1] =	sst s0;
	s0 =	simm.s32 @!p1 $0x0  }
0x14: {  	s2 =	sld [smem:$0x3F95];
	s0 =	simm.s32 @p1 $0x1  }
0x15: {  	[smem:$0x3FB2] =	sst s0;
	s0 =	simm.s32 @!p2 $0x0  }
0x16: {  	s3 =	sld [smem:$0x3FDB];
	s0 =	simm.s32 @p2 $0x1  }
0x17: {  	s4 =	simm.s32 $0x1BF5;
	[smem:$0x3FB4] =	sst s0  }
0x18: {  	s0 =	sld [smem:$0x3F97];
	_ =	swait.ge [sflag:s4], $0x0  }
0x19: {  	s7 =	sld [smem:$0x3F98]  }
0x1a: {  	s8 =	sadd.s32 $0xFFFFE003, lr  }
0x1b: {  	s9 =	sadd.s32 $0xFFFFFEF7, lr;
	s5 =	simm.s32 $0xFFFFFFFF;
	p2 =	slt.u32 s8, $0xFFFFF086  }
0x1c: {  	p1 =	slt.u32 s9, $0xF7A;
	s5 =	simm.s32 @!p2 $0x0  }
0x1d: {  	s5 =	simm.s32 @p1 $0x1;
	p0 =	seq.s32 s7, s2  }
0x1e: {  	s7 =	smul.u32 @!p0 $0xF7A, s2;
	p2 =	seq.s32 @!p0 s5, $0x0  }
0x1f: {  	s9 =	smul.u32 $0xF7A, s1;
	s8 =	simm.s32 @!p0 $0x1BF5;
	p2 =	por !p2, p0  }
0x20: {  	[sflag:s8] =	ssyncset.s32 @!p0 $0xFFFFF086;
	s6 =	sadd.s32 @!p0 s3, s7;
	s7 =	simm.s32 @!p0 $0x108  }
0x21: {  	s3 =	sadd.s32 s3, s9;
	s6 =	sadd.s32 @!p0 $0x88, s6;
	s7 =	simm.s32 @p2 $0x1082  }
0x22: {  	[simem:s7], [sflag:s8] =	dma.local @!p0 [hbm:s6], $0xF7A  }
0x23: {  	s9 =	sor.u32 $0xD0000000, s2;
	s6 =	simm.s32 $0x108;
	_ =	swait.ge @!p0 [sflag:s8], $0x0  }
0x24: {  	s3 =	sadd.s32 $0x88, s3;
	s6 =	simm.s32 @!p1 $0x1082;
	[sflag:s4] =	ssyncset.s32 $0xFFFFF086  }
0x25: {  	[simem:s6], [sflag:s4] =	dma.local [hbm:s3], $0xF7A  }
0x26: {  	[smem:$0x3F98] =	sst s1;
	(tag) =	ssettag s2;
	_ =	strace s9  }
0x27: {  	s1 =	sld [smem:$0x3FA8]  }
0x28: {  	s2 =	sld [smem:$0x3FA9]  }
0x29: {  	s4 =	sld [smem:$0x3FAB]  }
0x2a: {  	p0 =	seq.s32 s5, $0x0;
	s5 =	sld [smem:$0x3FAC]  }
0x2b: {  	s6 =	sld [smem:$0x3FAD]  }
0x2c: {  	s7 =	sld [smem:$0x3FAE]  }
0x2d: {  	s3 =	simm.s32 $0x108;
	s8 =	sld [smem:$0x3FAF]  }
0x2e: {  	s3 =	simm.s32 @!p0 $0x1082;
	s9 =	sld [smem:$0x3FB0]  }
0x2f: {  	lr =	sadd.s32 s0, s3;
	s0 =	sld [smem:$0x3FA7]  }
0x30: {  	s3 =	sld [smem:$0x3FAA]  }
0x31: {  	[smem:$0x3FB3] =	sst s10  }
0x32: {  	s10 =	sld [smem:$0x3FB1];
	_ =	sdelay $0x3  }
0x33: {  	p0 =	seq.s32 s10, $0x1;
	s10 =	sld [smem:$0x3FB3];
	_ =	sdelay $0x3  }
0x34: {  	[smem:$0x3FB3] =	sst s10  }
0x35: {  	s10 =	sld [smem:$0x3FB2];
	_ =	sdelay $0x3  }
0x36: {  	p1 =	seq.s32 s10, $0x1;
	s10 =	sld [smem:$0x3FB3];
	_ =	sdelay $0x3  }
0x37: {  	[smem:$0x3FB3] =	sst s10  }
0x38: {  	s10 =	sld [smem:$0x3FB4]  }
0x39: {  	_ = 	snop;
	(pc) =	sbr.ind lr, $3  }
0x3a: {  	_ = 	snop  }
0x3b: {  	_ = 	snop  }
0x3c: {  	p2 =	seq.s32 s10, $0x1;
	s10 =	sld [smem:$0x3FB3]  }
0x3d: {  	_ =	shalt  }
0x3e: {  	_ =	shalt  }
0x3f: {  	_ =	shalt  }
0x40: {  	_ =	shalt  }
0x41: {  	_ =	shalt  }
0x42: {  	_ =	shalt  }
0x43: {  	_ =	shalt  }
0x44: {  	_ =	shalt  }
0x45: {  	_ =	shalt  }
0x46: {  	_ =	shalt  }
0x47: {  	_ =	shalt  }
0x48: {  	_ =	shalt  }
0x49: {  	_ =	shalt  }
0x4a: {  	_ =	shalt  }
0x4b: {  	_ =	shalt  }
0x4c: {  	_ =	shalt  }
0x4d: {  	_ =	shalt  }
0x4e: {  	_ =	shalt  }
0x4f: {  	_ =	shalt  }
0x50: {  	_ =	shalt  }
0x51: {  	_ =	shalt  }
0x52: {  	_ =	shalt  }
0x53: {  	_ =	shalt  }
0x54: {  	_ =	shalt  }
0x55: {  	_ =	shalt  }
0x56: {  	_ =	shalt  }
0x57: {  	_ =	shalt  }
0x58: {  	_ =	shalt  }
0x59: {  	_ =	shalt  }
0x5a: {  	_ =	shalt  }
0x5b: {  	_ =	shalt  }
0x5c: {  	_ =	shalt  }
0x5d: {  	_ =	shalt  }
0x5e: {  	_ =	shalt  }
0x5f: {  	_ =	shalt  }
0x60: {  	_ =	shalt  }
0x61: {  	_ =	shalt  }
0x62: {  	_ =	shalt  }
0x63: {  	_ =	shalt  }
0x64: {  	_ =	shalt  }
0x65: {  	_ =	shalt  }
0x66: {  	_ =	shalt  }
0x67: {  	_ =	shalt  }
0x68: {  	_ =	shalt  }
0x69: {  	_ =	shalt  }
0x6a: {  	_ =	shalt  }
0x6b: {  	_ =	shalt  }
0x6c: {  	_ =	shalt  }
0x6d: {  	_ =	shalt  }
0x6e: {  	_ =	shalt  }
0x6f: {  	_ =	shalt  }
0x70: {  	_ =	shalt  }
0x71: {  	_ =	shalt  }
0x72: {  	_ =	shalt  }
0x73: {  	_ =	shalt  }
0x74: {  	_ =	shalt  }
0x75: {  	_ =	shalt  }
0x76: {  	_ =	shalt  }
0x77: {  	_ =	shalt  }
0x78: {  	_ =	shalt  }
0x79: {  	_ =	shalt  }
0x7a: {  	_ =	shalt  }
0x7b: {  	_ =	shalt  }
0x7c: {  	_ =	shalt  }
0x7d: {  	_ =	shalt  }
0x7e: {  	_ =	shalt  }
0x7f: {  	_ =	shalt  }
0x80: {  	_ =	shalt  }
0x81: {  	_ =	shalt  }
0x82: {  	_ =	shalt  }
0x83: {  	_ =	shalt  }
0x84: {  	_ =	shalt  }
0x85: {  	_ =	shalt  }
0x86: {  	_ =	shalt  }
0x87: {  	_ =	shalt  }
.Lfunc_end0:
.L_simem_size_0:
called_computation.2_lowered:
.L_overlay_start_0:
0x88: {  	s2 =	sld [smem:$0x3FD9]  }
0x89: {  	s3 =	sld [smem:$0x3FFE];
	_ =	sdelay $0x1  }
0x8a: {  	s1 =	srdreg.scid  }
0x8b: {  	s0 =	sand.u32 $0x1, s1  }
0x8c: {  	s16 =	sshll.u32 s0, $0xA;
	s2 =	sadd.s32 s3, s2  }
0x8d: {  	s2 =	sadd.s32 s2, s16  }
0x8e: {  	[smem:$0x3FBF] =	sst s2  }
0x8f: {  	_ = 	snop  }
0x90: {  	(tm) =	ssettm $0x1  }
0x91: {  	s17 =	sld [smem:$0x3FFB];
	_ =	sdelay $0x3  }
0x92: {  	_ =	strace s17  }
0x93: {  	s2 =	sld [smem:$0x3FFC];
	_ =	sdelay $0x3  }
0x94: {  	_ =	strace s2  }
0x95: {  	s2 =	sld [smem:$0x3FFD];
	_ =	sdelay $0x3  }
0x96: {  	_ =	strace s2  }
0x97: {  	_ =	strace $0x8FFFFFFF  }
0x98: {  	s18 =	sld [smem:$0x3FDB];
	_ =	sdelay $0x1  }
0x99: {  	s19 =	simm.s32 $_scs_section_size  }
0x9a: {  	s4 =	simm.s32 $_size__tile_overlayer_lowered;
	s5 =	simm.s32 $_tile_overlayer_lowered  }
0x9b: {  	s22 =	simm.s32 $0x1BFF;
	s21 =	sshll.u32 s5, $0x1;
	s2 =	sadd.s32 s19, s18  }
0x9c: {  	s6 =	simm.s32 $0x0;
	s20 =	sshll.u32 s4, $0x1;
	s4 =	sadd.s32 s21, s2  }
0x9d: {  	[timem:s6], [sflag:s22] =	dma.local [hbm:s4], s20  }
0x9e: {  	_ =	swait.ge [sflag:s22], s20  }
0x9f: {  	s3 =	ssub.s32 $0x0, s20;
	[sflag:s22] =	ssyncset.done $0x0  }
0xa0: {  	[sflag:s22] =	ssyncadd.s32 s3;
	_ =	sdelay $0x1  }
0xa1: {  	s23 =	simm.s32 $0x1B8B  }
0xa2: {  	_ =	swait.ge [sflag:s23], $0x1  }
0xa3: {  	[sflag:s23] =	ssyncset.done $0x0  }
0xa4: {  	s25 =	simm.s32 $0x1B8E;
	s24 =	sld [smem:$0x3FFE];
	[sflag:s23] =	ssyncadd.s32 $0xFFFFFFFF  }
0xa5: {  	s26 =	simm.s32 $execute0_lowered;
	[smem:$0x3FD2] =	sst s25  }
0xa6: {  	s4 =	sshll.u32 s26, $0x1;
	_ =	strace $0x8000004C;
	[dreg:$0x1] =	wrdreg $0xFFFFFFFF  }
0xa7: {  	s28 =	simm.s32 $_size_execute0_lowered;
	s2 =	sadd.s32 s2, s4;
	[dreg:$0x0] =	wrdreg $0x0  }
0xa8: {  	s4 =	sshll.u32 s28, $0x1;
	[dreg:$0x2] =	wrdreg s2  }
0xa9: {  	[dreg:$0x3] =	wrdreg s4  }
0xaa: {  	[dreg:$0x4] =	wrdreg $0xC0  }
0xab: {  	_ =	task [dreg:s6], $0x5FFFF  }
0xac: {  	[dreg:$0x1] =	wrdreg $0xFFFFFFFF  }
0xad: {  	[dreg:$0x0] =	wrdreg $0x60  }
0xae: {  	[dreg:$0x2] =	wrdreg s24  }
0xaf: {  	[dreg:$0x3] =	wrdreg $0x138000  }
0xb0: {  	[dreg:$0x4] =	wrdreg $0x9  }
0xb1: {  	_ =	task.clear_ibuf [dreg:s6], $0x5FFFF;
	_ =	strace $0x9000004C  }
0xb2: {  	s29 =	simm.s32 $0x9;
	_ =	strace $0x8000004E  }
0xb3: {  	_ =	swait.ge [sflag:s29], $0x1  }
0xb4: {  	[sflag:s29] =	ssyncadd.s32 $0xFFFFFFFF  }
0xb5: {  	_ =	strace $0x9000004E  }
0xb6: {  	_ =	sfence  }
0xb7: {  	s30 =	sld [smem:$0x0];
	_ =	sdelay $0x2  }
0xb8: {  	s31 =	sshll.u32 s1, $0xD;
	s1 =	sshrl.u32 s1, $0x2  }
0xb9: {  	s3 =	sand.u32 $0x4000, s31;
	s1 =	sadd.s32 s1, s30  }
0xba: {  	s0 =	sor.u32 s3, s0;
	s1 =	sshll.u32 s1, $0x11  }
0xbb: {  	s0 =	sor.u32 s1, s0  }
0xbc: {  	s0 =	sadd.s32 $0x8F2B, s0  }
0xbd: {  	[sflag:s0] =	ssyncadd.remote.s32 $0x1  }
0xbe: {  	_ =	sfence.sel $0xFFFF  }
0xbf: {  	[dreg:$0x0] =	wrdreg $0xFFFFFFFF;
	(pc) =	sbr.abs _section_cstart, $3  }
0xc0: {  	[dreg:$0x1] =	wrdreg $0xFFFFFFFF  }
0xc1: {  	_ =	task.clear_ibuf [dreg:s6], $0x2FFFF;
	_ =	strace $0x9FFFFFFF  }
0xc2: {  	(tm) =	ssettm $0x7FFFFFFF  }
0xc3: {  	_ =	shalt  }
tec
execute0_lowered:
.L_overlay_start_1:
0x0: {  	(tag) =	ssettag $0x1  }
0x1: {  	s0 =	srdreg.scid;
	s5 =	rddreg [dreg:$0x0]  }
0x2: {  	s8 =	stileid.u32;
	s2 =	rddreg [dreg:$0x1]  }
0x3: {  	s3 =	simm.s32 $0x0;
	s13 =	simm.s32 $0x11000;
	s14 =	simm.s32 $0x7  }
0x4: {  	s16 =	simm.s32 $0x100;
	s17 =	simm.s32 $0x5000;
	s18 =	simm.s32 $0x9000  }
0x5: {  	s20 =	simm.s32 $0xD000;
	s21 =	simm.s32 $0x1;
	s22 =	simm.s32 $0x2  }
0x6: {  	s23 =	simm.s32 $0x3;
	s24 =	simm.s32 $0x4;
	s25 =	simm.s32 $0x5  }
0x7: {  	s26 =	simm.s32 $0x6;
	s28 =	simm.s32 $0x4C00;
	s29 =	simm.s32 $0x4D00  }
0x8: {  	s30 =	simm.s32 $0x4E00;
	s31 =	simm.s32 $0x2700;
	s0 =	sand.u32 $0x1, s0  }
0x9: {  	s1 =	sshll.u32 s8, $0x1;
	s6 =	smul.u32 $0xA000, s8;
	[smem:$0x7FF] =	sst s3  }
0xa: {  	s4 =	sadd.s32 $0x16000, s5;
	s8 =	smul.u32 $0x28000, s8;
	s1 =	sor.u32 s0, s1  }
0xb: {  	s7 =	smul.u32 $0xA0000, s0;
	_ =	strace $0x8000004D;
	s0 =	ssub.s32 $0x2, s0  }
0xc: {  	s1 =	smul.u32 $0x500, s1;
	s9 =	sshrl.u32 s0, $0x1;
	s8 =	sshrl.u32 s8, $0x2  }
0xd: {  	s7 =	sadd.s32 s6, s7;
	s0 =	ssub.s32 s0, s9;
	s8 =	sadd.s32 s8, s2  }
0xe: {  	s1 =	sadd.s32 s1, s5;
	s7 =	sshrl.u32 s7, $0x3;
	s12 =	smax.u32 s0, $0x1  }
0xf: {  	s11 =	sadd.s32 s7, s5;
	s5 =	sadd.s32 s6, s2;
	s6 =	sadd.s32 $0x2800, s8  }
0x10: {  	s7 =	sadd.s32 $0x5000, s8;
	s8 =	sadd.s32 $0x7800, s8;
	s9 =	sadd.s32 $0x2000, s1  }
0x11: {  	v0 =	vimm.f32 $0.0e+00;
	s10 =	sadd.s32 $0xC000, s1;
	s1 =	simm.s32 $0x4F00;
	s11 =	sadd.s32 $0x2A000, s11  }
.LBB2_1:
0x12: {  	s15 =	simm.s32 $0x100;
	s0 =	simm.s32 $0x0  }
.LBB2_2:
0x13: {  	p0 =	sne.s32 s15, $0x9F00;
	[tilespmem:s0+$0x11030] =	vst v0;
	s19 =	smov.u32 s15;
	s15 =	sadd.s32 $0x100, s15  }
.Ltmp0:
0x14: {  	[tilespmem:s0+$0x11020] =	vst v0;
	(pc) =	sbr.rel @p0 .LBB2_2-.Ltmp0, $3  }
0x15: {  	[tilespmem:s0+$0x11000] =	vst v0  }
0x16: {  	[tilespmem:s0+$0x11010] =	vst v0;
	_ =	sdelay $0x1  }
0x17: {  	s0 =	sshra.s32 s19, $0x2  }
0x18: {  	[tilespmem:s0+$0x11030] =	vst v0  }
0x19: {  	[tilespmem:s0+$0x11020] =	vst v0  }
0x1a: {  	[tilespmem:s0+$0x11000] =	vst v0  }
0x1b: {  	[tilespmem:s0+$0x11010] =	vst v0  }
0x1c: {  	[spmem:s5] =	stream.linear.scatter [tilespmem:s13], [sflag:$0x7], $0x2800, $0x38;
	[tilespmem:$0x1D800] =	vst v63  }
0x1d: {  	_ =	swait.ge [sflag:s14], $0x2800  }
0x1e: {  	[sflag:s14] =	ssyncset.done $0x0  }
0x1f: {  	[sflag:s14] =	ssyncadd.s32 $0xFFFFD800  }
0x20: {  	[spmem:s6] =	stream.linear.scatter [tilespmem:s13], [sflag:$0x7], $0x2800, $0x38;
	[tilespmem:$0x1D800] =	vst v63  }
0x21: {  	_ =	swait.ge [sflag:s14], $0x2800  }
0x22: {  	[sflag:s14] =	ssyncset.done $0x0  }
0x23: {  	[sflag:s14] =	ssyncadd.s32 $0xFFFFD800  }
0x24: {  	[spmem:s7] =	stream.linear.scatter [tilespmem:s13], [sflag:$0x7], $0x2800, $0x38;
	[tilespmem:$0x1D800] =	vst v63  }
0x25: {  	_ =	swait.ge [sflag:s14], $0x2800  }
0x26: {  	[sflag:s14] =	ssyncset.done $0x0  }
0x27: {  	[sflag:s14] =	ssyncadd.s32 $0xFFFFD800  }
0x28: {  	[spmem:s8] =	stream.linear.scatter [tilespmem:s13], [sflag:$0x7], $0x2800, $0x38;
	[tilespmem:$0x1D800] =	vst v63  }
0x29: {  	_ =	swait.ge [sflag:s14], $0x2800  }
0x2a: {  	[sflag:s14] =	ssyncset.done $0x0  }
0x2b: {  	[sflag:s14] =	ssyncadd.s32 $0xFFFFD800  }
0x2c: {  	s19 =	simm.s32 $0x0;
	[bflag:$0x0] =	sbarrier.arrive $0xFFFF  }
0x2d: {  	[tilespmem:s19], [sflag:$0x7] =	stream.linear.gather [hbm4b:s9+s19], $0x2800, $0x38;
	[tilespmem:$0x1D800] =	vst v63  }
0x2e: {  	_ =	swait.ge [sflag:s14], $0x2800  }
0x2f: {  	[sflag:s14] =	ssyncset.done $0x0  }
0x30: {  	s15 =	simm.s32 $0x2800;
	[sflag:s14] =	ssyncadd.s32 $0xFFFFD800  }
0x31: {  	[tilespmem:s15], [sflag:$0x7] =	stream.linear.gather [hbm4b:s10+s19], $0x2800, $0x38;
	[tilespmem:$0x1D800] =	vst v63  }
0x32: {  	_ =	swait.ge [sflag:s14], $0x2800  }
0x33: {  	[sflag:s14] =	ssyncset.done $0x0  }
0x34: {  	[sflag:s14] =	ssyncadd.s32 $0xFFFFD800  }
0x35: {  	[tilespmem:s17], [sflag:$0x1] =	stream.indirect.gather [hbm4b:s4+s16], $0x40, s19, s16, $0xb8;
	[tilespmem:$0x1D800] =	vst v63  }
0x36: {  	_ = 	snop  }
0x37: {  	[tilespmem:s18], [sflag:$0x2] =	stream.indirect.gather [hbm4b:s4+s16], $0x40, s16, s16, $0xb8;
	[tilespmem:$0x1D800] =	vst v63  }
0x38: {  	s15 =	simm.s32 $0x200  }
0x39: {  	[tilespmem:s20], [sflag:$0x3] =	stream.indirect.gather [hbm4b:s4+s16], $0x40, s15, s16, $0xb8;
	[tilespmem:$0x1D800] =	vst v63  }
0x3a: {  	_ =	swait.ge [sflag:s21], $0x4000  }
0x3b: {  	[sflag:s21] =	ssyncset.done $0x0  }
0x3c: {  	s19 =	simm.s32 $0x2800;
	[sflag:s21] =	ssyncadd.s32 $0xFFFFC000  }
0x3d: {  	[spmem:s2] =	stream.indirect.scatter.add.f32 [tilespmem:s17], [sflag:$0x4], $0x40, s19, s16, $0xb8;
	[tilespmem:$0x1D800] =	vst v63  }
0x3e: {  	_ =	swait.ge [sflag:s22], $0x4000  }
0x3f: {  	[sflag:s22] =	ssyncset.done $0x0  }
0x40: {  	s15 =	simm.s32 $0x2900;
	[sflag:s22] =	ssyncadd.s32 $0xFFFFC000  }
0x41: {  	[spmem:s2] =	stream.indirect.scatter.add.f32 [tilespmem:s18], [sflag:$0x5], $0x40, s15, s16, $0xb8;
	[tilespmem:$0x1D800] =	vst v63  }
0x42: {  	_ =	swait.ge [sflag:s23], $0x4000  }
0x43: {  	[sflag:s23] =	ssyncset.done $0x0  }
0x44: {  	s19 =	simm.s32 $0x2A00;
	[sflag:s23] =	ssyncadd.s32 $0xFFFFC000  }
0x45: {  	[spmem:s2] =	stream.indirect.scatter.add.f32 [tilespmem:s20], [sflag:$0x6], $0x40, s19, s16, $0xb8;
	[tilespmem:$0x1D800] =	vst v63  }
0x46: {  	_ =	swait.ge [sflag:s24], $0x4000  }
0x47: {  	[sflag:s24] =	ssyncset.done $0x0  }
0x48: {  	s15 =	simm.s32 $0x300;
	[sflag:s24] =	ssyncadd.s32 $0xFFFFC000  }
0x49: {  	[tilespmem:s17], [sflag:$0x1] =	stream.indirect.gather [hbm4b:s4+s16], $0x40, s15, s16, $0xb8;
	[tilespmem:$0x1D800] =	vst v63  }
0x4a: {  	_ =	swait.ge [sflag:s25], $0x4000  }
0x4b: {  	[sflag:s25] =	ssyncset.done $0x0  }
0x4c: {  	s19 =	simm.s32 $0x400;
	[sflag:s25] =	ssyncadd.s32 $0xFFFFC000  }
0x4d: {  	[tilespmem:s18], [sflag:$0x2] =	stream.indirect.gather [hbm4b:s4+s16], $0x40, s19, s16, $0xb8;
	[tilespmem:$0x1D800] =	vst v63  }
0x4e: {  	_ =	swait.ge [sflag:s26], $0x4000  }
0x4f: {  	[sflag:s26] =	ssyncset.done $0x0  }
0x50: {  	s0 =	simm.s32 $0xC00;
	s15 =	simm.s32 $0x500;
	[sflag:s26] =	ssyncadd.s32 $0xFFFFC000  }
.LBB2_4:
0x51: {  	[tilespmem:s20], [sflag:$0x3] =	stream.indirect.gather [hbm4b:s4+s16], $0x40, s15, s16, $0xb8;
	[tilespmem:$0x1D800] =	vst v63  }
0x52: {  	s15 =	smov.u32 s0  }
0x53: {  	p0 =	sne.s32 s0, $0x8400;
	s0 =	sadd.s32 $0xC00, s0;
	_ =	swait.ge [sflag:s21], $0x4000  }
0x54: {  	s15 =	sshra.s32 s15, $0x2;
	[sflag:s21] =	ssyncset.done $0x0  }
0x55: {  	s19 =	sadd.s32 $0x2800, s15;
	[sflag:s21] =	ssyncadd.s32 $0xFFFFC000  }
0x56: {  	[spmem:s2] =	stream.indirect.scatter.add.f32 [tilespmem:s17], [sflag:$0x4], $0x40, s19, s16, $0xb8;
	[tilespmem:$0x1D800] =	vst v63  }
0x57: {  	_ =	swait.ge [sflag:s22], $0x4000  }
0x58: {  	[sflag:s22] =	ssyncset.done $0x0  }
0x59: {  	s19 =	sadd.s32 $0x2900, s15;
	[sflag:s22] =	ssyncadd.s32 $0xFFFFC000  }
0x5a: {  	[spmem:s2] =	stream.indirect.scatter.add.f32 [tilespmem:s18], [sflag:$0x5], $0x40, s19, s16, $0xb8;
	[tilespmem:$0x1D800] =	vst v63  }
0x5b: {  	_ =	swait.ge [sflag:s23], $0x4000  }
0x5c: {  	[sflag:s23] =	ssyncset.done $0x0  }
0x5d: {  	s19 =	sadd.s32 $0x2A00, s15;
	[sflag:s23] =	ssyncadd.s32 $0xFFFFC000  }
0x5e: {  	[spmem:s2] =	stream.indirect.scatter.add.f32 [tilespmem:s20], [sflag:$0x6], $0x40, s19, s16, $0xb8;
	[tilespmem:$0x1D800] =	vst v63  }
0x5f: {  	_ =	swait.ge [sflag:s24], $0x4000  }
0x60: {  	[sflag:s24] =	ssyncset.done $0x0  }
0x61: {  	s19 =	sadd.s32 $0x300, s15;
	[sflag:s24] =	ssyncadd.s32 $0xFFFFC000  }
0x62: {  	[tilespmem:s17], [sflag:$0x1] =	stream.indirect.gather [hbm4b:s4+s16], $0x40, s19, s16, $0xb8;
	[tilespmem:$0x1D800] =	vst v63  }
0x63: {  	_ =	swait.ge [sflag:s25], $0x4000  }
0x64: {  	[sflag:s25] =	ssyncset.done $0x0  }
.Ltmp1:
0x65: {  	s19 =	sadd.s32 $0x400, s15;
	[sflag:s25] =	ssyncadd.s32 $0xFFFFC000;
	(pc) =	sbr.rel @p0 .LBB2_4-.Ltmp1, $4  }
0x66: {  	[tilespmem:s18], [sflag:$0x2] =	stream.indirect.gather [hbm4b:s4+s16], $0x40, s19, s16, $0xb8;
	[tilespmem:$0x1D800] =	vst v63  }
0x67: {  	_ =	swait.ge [sflag:s26], $0x4000  }
0x68: {  	[sflag:s26] =	ssyncset.done $0x0  }
0x69: {  	s15 =	sadd.s32 $0x500, s15;
	[sflag:s26] =	ssyncadd.s32 $0xFFFFC000  }
0x6a: {  	[tilespmem:s20], [sflag:$0x3] =	stream.indirect.gather [hbm4b:s4+s16], $0x40, s15, s16, $0xb8;
	[tilespmem:$0x1D800] =	vst v63  }
0x6b: {  	_ =	swait.ge [sflag:s21], $0x4000  }
0x6c: {  	[sflag:s21] =	ssyncset.done $0x0  }
0x6d: {  	[sflag:s21] =	ssyncadd.s32 $0xFFFFC000  }
0x6e: {  	[spmem:s2] =	stream.indirect.scatter.add.f32 [tilespmem:s17], [sflag:$0x4], $0x40, s28, s16, $0xb8;
	[tilespmem:$0x1D800] =	vst v63  }
0x6f: {  	_ =	swait.ge [sflag:s22], $0x4000  }
0x70: {  	[sflag:s22] =	ssyncset.done $0x0  }
0x71: {  	[sflag:s22] =	ssyncadd.s32 $0xFFFFC000  }
0x72: {  	[spmem:s2] =	stream.indirect.scatter.add.f32 [tilespmem:s18], [sflag:$0x5], $0x40, s29, s16, $0xb8;
	[tilespmem:$0x1D800] =	vst v63  }
0x73: {  	_ =	swait.ge [sflag:s23], $0x4000  }
0x74: {  	[sflag:s23] =	ssyncset.done $0x0  }
0x75: {  	[sflag:s23] =	ssyncadd.s32 $0xFFFFC000  }
0x76: {  	[spmem:s2] =	stream.indirect.scatter.add.f32 [tilespmem:s20], [sflag:$0x6], $0x40, s30, s16, $0xb8;
	[tilespmem:$0x1D800] =	vst v63  }
0x77: {  	_ =	swait.ge [sflag:s24], $0x4000  }
0x78: {  	[sflag:s24] =	ssyncset.done $0x0  }
0x79: {  	[sflag:s24] =	ssyncadd.s32 $0xFFFFC000  }
0x7a: {  	[tilespmem:s17], [sflag:$0x1] =	stream.indirect.gather [hbm4b:s4+s16], $0x40, s31, s16, $0xb8;
	[tilespmem:$0x1D800] =	vst v63  }
0x7b: {  	_ =	swait.ge [sflag:s25], $0x4000  }
0x7c: {  	[sflag:s25] =	ssyncset.done $0x0  }
0x7d: {  	[sflag:s25] =	ssyncadd.s32 $0xFFFFC000  }
0x7e: {  	_ =	swait.ge [sflag:s26], $0x4000  }
0x7f: {  	[sflag:s26] =	ssyncset.done $0x0  }
0x80: {  	[sflag:s26] =	ssyncadd.s32 $0xFFFFC000  }
0x81: {  	_ =	swait.ge [sflag:s21], $0x4000  }
0x82: {  	[sflag:s21] =	ssyncset.done $0x0  }
0x83: {  	[sflag:s21] =	ssyncadd.s32 $0xFFFFC000  }
0x84: {  	[spmem:s2] =	stream.indirect.scatter.add.f32 [tilespmem:s17], [sflag:$0x7], $0x40, s1, s16, $0xb8;
	[tilespmem:$0x1D800] =	vst v63  }
0x85: {  	s0 =	stileid.u32;
	_ =	swait.ge [sflag:s14], $0x4000  }
0x86: {  	s19 =	sshrl.u32 s5, $0x3;
	s3 =	sadd.s32 $0x1, s3;
	[sflag:s14] =	ssyncset.done $0x0  }
0x87: {  	s0 =	sshll.u32 s0, $0x6;
	p0 =	sne.s32 s3, s12;
	[sflag:s14] =	ssyncadd.s32 $0xFFFFC000  }
.Ltmp2:
0x88: {  	s0 =	sor.u32 $0x1C07, s0;
	[bflag:$0x0] =	sbarrier.arrive $0xFFFF;
	(pc) =	sbr.rel @p0 .LBB2_1-.Ltmp2, $4  }
0x89: {  	[hbm:s11], [sflag:s0] =	dma.local [spmem:s19], $0x1400  }
0x8a: {  	_ =	swait.ge [sflag:s14], $0x1400  }
0x8b: {  	[sflag:s14] =	ssyncset.done $0x0  }
0x8c: {  	[sflag:s14] =	ssyncadd.s32 $0xFFFFEC00  }
0x8d: {  	_ =	sfence.sel $0x180000  }
0x8e: {  	[bflag:$0x0] =	sbarrier.arrive $0xFFFF  }
0x8f: {  	_ =	strace $0x9000004D  }
0x90: {  	s0 =	stileid.u32;
	[bflag:$0x2] =	sbarrier.arrive $0xFFFF  }
0x91: {  	p0 =	sne.s32 s0, $0x0;
	s0 =	rddreg [dreg:$0x2]  }
0x92: {  	s0 =	sadd.s32 @!p0 $0x100000, s0  }
0x93: {  	[sflag:s0] =	ssyncadd.tile.s32 @!p0 $0x1;
	_ =	shalt  }
.Lfunc_end2:
_tile_overlayer_lowered:
.L_overlay_start_2:
0x94: {  	(tag) =	ssettag $0x2  }
0x95: {  	s0 =	rddreg [dreg:$0x0];
	s2 =	stileid.u32  }
0x96: {  	s1 =	rddreg [dreg:$0x1];
	p0 =	sne.s32 s2, $0x0  }
0x97: {  	s3 =	rddreg [dreg:$0x2];
	[bflag:$0x3] =	sbarrier.arrive $0xFFFF;
	s2 =	simm.s32 @!p0 $0x1C07  }
0x98: {  	[timem:s3], [sflag:s2] =	dma.local @!p0 [hbm:s0], s1  }
0x99: {  	s0 =	simm.s32 @!p0 $0x7  }
0x9a: {  	_ =	swait.ge @!p0 [sflag:s0], s1  }
0x9b: {  	s1 =	ssub.s32 @!p0 $0x0, s1;
	[sflag:s0] =	ssyncset.done @!p0 $0x0  }
0x9c: {  	[sflag:s0] =	ssyncadd.s32 @!p0 s1  }
0x9d: {  	[bflag:$0x3] =	sbarrier.arrive $0xFFFF  }
0x9e: {  	_ =	shalt  }

// kernel: kernel.8.cloned.1.call-start
scs
__scs_entry_jumppad:
0x0: {  	(pc) =	sbr.rel $0x88, $3  }
0x1: {  	(tag) =	ssettag $0x0;
	lr =	simm.s32 $0x1  }
0x2: {  	[smem:$0x3F98] =	sst lr;
	_ =	strace $0xD0000000  }
0x3: {  	_ = 	snop  }
0x4: {  	_ = 	snop  }
0x5: {  	_ = 	snop  }
0x6: {  	_ = 	snop  }
0x7: {  	_ = 	snop  }
__scs_overlays_trampoline_lowered:
0x8: {  	[smem:$0x3FA7] =	sst s0  }
0x9: {  	[smem:$0x3FA8] =	sst s1  }
0xa: {  	[smem:$0x3FA9] =	sst s2  }
0xb: {  	[smem:$0x3FAA] =	sst s3  }
0xc: {  	[smem:$0x3FAB] =	sst s4  }
0xd: {  	[smem:$0x3FAC] =	sst s5  }
0xe: {  	[smem:$0x3FAD] =	sst s6  }
0xf: {  	[smem:$0x3FAE] =	sst s7  }
0x10: {  	[smem:$0x3FAF] =	sst s8  }
0x11: {  	[smem:$0x3FB0] =	sst s9;
	s0 =	simm.s32 @!p0 $0x0  }
0x12: {  	s1 =	sld [smem:$0x3F96];
	s0 =	simm.s32 @p0 $0x1  }
0x13: {  	[smem:$0x3FB1] =	sst s0;
	s0 =	simm.s32 @!p1 $0x0  }
0x14: {  	s2 =	sld [smem:$0x3F95];
	s0 =	simm.s32 @p1 $0x1  }
0x15: {  	[smem:$0x3FB2] =	sst s0;
	s0 =	simm.s32 @!p2 $0x0  }
0x16: {  	s3 =	sld [smem:$0x3FDB];
	s0 =	simm.s32 @p2 $0x1  }
0x17: {  	s4 =	simm.s32 $0x1BF5;
	[smem:$0x3FB4] =	sst s0  }
0x18: {  	s0 =	sld [smem:$0x3F97];
	_ =	swait.ge [sflag:s4], $0x0  }
0x19: {  	s7 =	sld [smem:$0x3F98]  }
0x1a: {  	s8 =	sadd.s32 $0xFFFFE003, lr  }
0x1b: {  	s9 =	sadd.s32 $0xFFFFFEF7, lr;
	s5 =	simm.s32 $0xFFFFFFFF;
	p2 =	slt.u32 s8, $0xFFFFF086  }
0x1c: {  	p1 =	slt.u32 s9, $0xF7A;
	s5 =	simm.s32 @!p2 $0x0  }
0x1d: {  	s5 =	simm.s32 @p1 $0x1;
	p0 =	seq.s32 s7, s2  }
0x1e: {  	s7 =	smul.u32 @!p0 $0xF7A, s2;
	p2 =	seq.s32 @!p0 s5, $0x0  }
0x1f: {  	s9 =	smul.u32 $0xF7A, s1;
	s8 =	simm.s32 @!p0 $0x1BF5;
	p2 =	por !p2, p0  }
0x20: {  	[sflag:s8] =	ssyncset.s32 @!p0 $0xFFFFF086;
	s6 =	sadd.s32 @!p0 s3, s7;
	s7 =	simm.s32 @!p0 $0x108  }
0x21: {  	s3 =	sadd.s32 s3, s9;
	s6 =	sadd.s32 @!p0 $0x88, s6;
	s7 =	simm.s32 @p2 $0x1082  }
0x22: {  	[simem:s7], [sflag:s8] =	dma.local @!p0 [hbm:s6], $0xF7A  }
0x23: {  	s9 =	sor.u32 $0xD0000000, s2;
	s6 =	simm.s32 $0x108;
	_ =	swait.ge @!p0 [sflag:s8], $0x0  }
0x24: {  	s3 =	sadd.s32 $0x88, s3;
	s6 =	simm.s32 @!p1 $0x1082;
	[sflag:s4] =	ssyncset.s32 $0xFFFFF086  }
0x25: {  	[simem:s6], [sflag:s4] =	dma.local [hbm:s3], $0xF7A  }
0x26: {  	[smem:$0x3F98] =	sst s1;
	(tag) =	ssettag s2;
	_ =	strace s9  }
0x27: {  	s1 =	sld [smem:$0x3FA8]  }
0x28: {  	s2 =	sld [smem:$0x3FA9]  }
0x29: {  	s4 =	sld [smem:$0x3FAB]  }
0x2a: {  	p0 =	seq.s32 s5, $0x0;
	s5 =	sld [smem:$0x3FAC]  }
0x2b: {  	s6 =	sld [smem:$0x3FAD]  }
0x2c: {  	s7 =	sld [smem:$0x3FAE]  }
0x2d: {  	s3 =	simm.s32 $0x108;
	s8 =	sld [smem:$0x3FAF]  }
0x2e: {  	s3 =	simm.s32 @!p0 $0x1082;
	s9 =	sld [smem:$0x3FB0]  }
0x2f: {  	lr =	sadd.s32 s0, s3;
	s0 =	sld [smem:$0x3FA7]  }
0x30: {  	s3 =	sld [smem:$0x3FAA]  }
0x31: {  	[smem:$0x3FB3] =	sst s10  }
0x32: {  	s10 =	sld [smem:$0x3FB1];
	_ =	sdelay $0x3  }
0x33: {  	p0 =	seq.s32 s10, $0x1;
	s10 =	sld [smem:$0x3FB3];
	_ =	sdelay $0x3  }
0x34: {  	[smem:$0x3FB3] =	sst s10  }
0x35: {  	s10 =	sld [smem:$0x3FB2];
	_ =	sdelay $0x3  }
0x36: {  	p1 =	seq.s32 s10, $0x1;
	s10 =	sld [smem:$0x3FB3];
	_ =	sdelay $0x3  }
0x37: {  	[smem:$0x3FB3] =	sst s10  }
0x38: {  	s10 =	sld [smem:$0x3FB4]  }
0x39: {  	_ = 	snop;
	(pc) =	sbr.ind lr, $3  }
0x3a: {  	_ = 	snop  }
0x3b: {  	_ = 	snop  }
0x3c: {  	p2 =	seq.s32 s10, $0x1;
	s10 =	sld [smem:$0x3FB3]  }
0x3d: {  	_ =	shalt  }
0x3e: {  	_ =	shalt  }
0x3f: {  	_ =	shalt  }
0x40: {  	_ =	shalt  }
0x41: {  	_ =	shalt  }
0x42: {  	_ =	shalt  }
0x43: {  	_ =	shalt  }
0x44: {  	_ =	shalt  }
0x45: {  	_ =	shalt  }
0x46: {  	_ =	shalt  }
0x47: {  	_ =	shalt  }
0x48: {  	_ =	shalt  }
0x49: {  	_ =	shalt  }
0x4a: {  	_ =	shalt  }
0x4b: {  	_ =	shalt  }
0x4c: {  	_ =	shalt  }
0x4d: {  	_ =	shalt  }
0x4e: {  	_ =	shalt  }
0x4f: {  	_ =	shalt  }
0x50: {  	_ =	shalt  }
0x51: {  	_ =	shalt  }
0x52: {  	_ =	shalt  }
0x53: {  	_ =	shalt  }
0x54: {  	_ =	shalt  }
0x55: {  	_ =	shalt  }
0x56: {  	_ =	shalt  }
0x57: {  	_ =	shalt  }
0x58: {  	_ =	shalt  }
0x59: {  	_ =	shalt  }
0x5a: {  	_ =	shalt  }
0x5b: {  	_ =	shalt  }
0x5c: {  	_ =	shalt  }
0x5d: {  	_ =	shalt  }
0x5e: {  	_ =	shalt  }
0x5f: {  	_ =	shalt  }
0x60: {  	_ =	shalt  }
0x61: {  	_ =	shalt  }
0x62: {  	_ =	shalt  }
0x63: {  	_ =	shalt  }
0x64: {  	_ =	shalt  }
0x65: {  	_ =	shalt  }
0x66: {  	_ =	shalt  }
0x67: {  	_ =	shalt  }
0x68: {  	_ =	shalt  }
0x69: {  	_ =	shalt  }
0x6a: {  	_ =	shalt  }
0x6b: {  	_ =	shalt  }
0x6c: {  	_ =	shalt  }
0x6d: {  	_ =	shalt  }
0x6e: {  	_ =	shalt  }
0x6f: {  	_ =	shalt  }
0x70: {  	_ =	shalt  }
0x71: {  	_ =	shalt  }
0x72: {  	_ =	shalt  }
0x73: {  	_ =	shalt  }
0x74: {  	_ =	shalt  }
0x75: {  	_ =	shalt  }
0x76: {  	_ =	shalt  }
0x77: {  	_ =	shalt  }
0x78: {  	_ =	shalt  }
0x79: {  	_ =	shalt  }
0x7a: {  	_ =	shalt  }
0x7b: {  	_ =	shalt  }
0x7c: {  	_ =	shalt  }
0x7d: {  	_ =	shalt  }
0x7e: {  	_ =	shalt  }
0x7f: {  	_ =	shalt  }
0x80: {  	_ =	shalt  }
0x81: {  	_ =	shalt  }
0x82: {  	_ =	shalt  }
0x83: {  	_ =	shalt  }
0x84: {  	_ =	shalt  }
0x85: {  	_ =	shalt  }
0x86: {  	_ =	shalt  }
0x87: {  	_ =	shalt  }
.Lfunc_end0:
.L_simem_size_0:
called_computation_lowered:
.L_overlay_start_0:
0x88: {  	s2 =	sld [smem:$0x3FD9]  }
0x89: {  	s3 =	sld [smem:$0x3FFE];
	_ =	sdelay $0x1  }
0x8a: {  	s1 =	srdreg.scid  }
0x8b: {  	s0 =	sand.u32 $0x1, s1  }
0x8c: {  	s16 =	sshll.u32 s0, $0xA;
	s2 =	sadd.s32 s3, s2  }
0x8d: {  	s2 =	sadd.s32 s2, s16  }
0x8e: {  	[smem:$0x3FBF] =	sst s2  }
0x8f: {  	_ = 	snop  }
0x90: {  	(tm) =	ssettm $0x1  }
0x91: {  	s17 =	sld [smem:$0x3FFB];
	_ =	sdelay $0x3  }
0x92: {  	_ =	strace s17  }
0x93: {  	s2 =	sld [smem:$0x3FFC];
	_ =	sdelay $0x3  }
0x94: {  	_ =	strace s2  }
0x95: {  	s2 =	sld [smem:$0x3FFD];
	_ =	sdelay $0x3  }
0x96: {  	_ =	strace s2  }
0x97: {  	_ =	strace $0x8FFFFFFF  }
0x98: {  	s18 =	sld [smem:$0x3FDB];
	_ =	sdelay $0x1  }
0x99: {  	s19 =	simm.s32 $_scs_section_size  }
0x9a: {  	s4 =	simm.s32 $_size__tile_overlayer_lowered;
	s5 =	simm.s32 $_tile_overlayer_lowered  }
0x9b: {  	s22 =	simm.s32 $0x1BFF;
	s21 =	sshll.u32 s5, $0x1;
	s2 =	sadd.s32 s19, s18  }
0x9c: {  	s6 =	simm.s32 $0x0;
	s20 =	sshll.u32 s4, $0x1;
	s4 =	sadd.s32 s21, s2  }
0x9d: {  	[timem:s6], [sflag:s22] =	dma.local [hbm:s4], s20  }
0x9e: {  	_ =	swait.ge [sflag:s22], s20  }
0x9f: {  	s3 =	ssub.s32 $0x0, s20;
	[sflag:s22] =	ssyncset.done $0x0  }
0xa0: {  	[sflag:s22] =	ssyncadd.s32 s3;
	_ =	sdelay $0x1  }
0xa1: {  	s23 =	simm.s32 $0x1B8B  }
0xa2: {  	_ =	swait.ge [sflag:s23], $0x1  }
0xa3: {  	[sflag:s23] =	ssyncset.done $0x0  }
0xa4: {  	s25 =	simm.s32 $0x1B8E;
	s24 =	sld [smem:$0x3FFE];
	[sflag:s23] =	ssyncadd.s32 $0xFFFFFFFF  }
0xa5: {  	s26 =	simm.s32 $execute0_lowered;
	[smem:$0x3FD2] =	sst s25  }
0xa6: {  	s4 =	sshll.u32 s26, $0x1;
	_ =	strace $0x80000046;
	[dreg:$0x1] =	wrdreg $0xFFFFFFFF  }
0xa7: {  	s28 =	simm.s32 $_size_execute0_lowered;
	s2 =	sadd.s32 s2, s4;
	[dreg:$0x0] =	wrdreg $0x0  }
0xa8: {  	s4 =	sshll.u32 s28, $0x1;
	[dreg:$0x2] =	wrdreg s2  }
0xa9: {  	[dreg:$0x3] =	wrdreg s4  }
0xaa: {  	[dreg:$0x4] =	wrdreg $0xC0  }
0xab: {  	_ =	task [dreg:s6], $0x5FFFF  }
0xac: {  	[dreg:$0x1] =	wrdreg $0xFFFFFFFF  }
0xad: {  	[dreg:$0x0] =	wrdreg $0x60  }
0xae: {  	[dreg:$0x2] =	wrdreg s24  }
0xaf: {  	[dreg:$0x3] =	wrdreg $0x9  }
0xb0: {  	_ =	task.clear_ibuf [dreg:s6], $0x4FFFF;
	_ =	strace $0x90000046  }
0xb1: {  	s29 =	simm.s32 $0x9;
	_ =	strace $0x80000048  }
0xb2: {  	_ =	swait.ge [sflag:s29], $0x1  }
0xb3: {  	[sflag:s29] =	ssyncadd.s32 $0xFFFFFFFF  }
0xb4: {  	_ =	strace $0x90000048  }
0xb5: {  	_ =	sfence  }
0xb6: {  	s30 =	sld [smem:$0x0];
	_ =	sdelay $0x2  }
0xb7: {  	s31 =	sshll.u32 s1, $0xD;
	s1 =	sshrl.u32 s1, $0x2  }
0xb8: {  	s3 =	sand.u32 $0x4000, s31;
	s1 =	sadd.s32 s1, s30  }
0xb9: {  	s0 =	sor.u32 s3, s0;
	s1 =	sshll.u32 s1, $0x11  }
0xba: {  	s0 =	sor.u32 s1, s0  }
0xbb: {  	s0 =	sadd.s32 $0x8F2B, s0  }
0xbc: {  	[sflag:s0] =	ssyncadd.remote.s32 $0x1  }
0xbd: {  	_ =	sfence.sel $0xFFFF  }
0xbe: {  	[dreg:$0x0] =	wrdreg $0xFFFFFFFF;
	(pc) =	sbr.abs _section_cstart, $3  }
0xbf: {  	[dreg:$0x1] =	wrdreg $0xFFFFFFFF  }
0xc0: {  	_ =	task.clear_ibuf [dreg:s6], $0x2FFFF;
	_ =	strace $0x9FFFFFFF  }
0xc1: {  	(tm) =	ssettm $0x7FFFFFFF  }
tec
execute0_lowered:
.L_overlay_start_1:
0x0: {  	(tag) =	ssettag $0x1  }
0x1: {  	s1 =	srdreg.scid;
	s0 =	stileid.u32  }
0x2: {  	s3 =	rddreg [dreg:$0x0];
	s8 =	simm.s32 $0x80;
	s9 =	simm.s32 $0x400  }
0x3: {  	s4 =	sand.u32 $0x1, s1;
	s2 =	sshll.u32 s0, $0x1;
	s1 =	rddreg [dreg:$0x1]  }
0x4: {  	s6 =	sshrl.u32 s0, $0x2;
	s5 =	sor.u32 s4, s2;
	s2 =	simm.s32 $0x0  }
0x5: {  	s6 =	smul.u32 $0x14000, s6;
	s4 =	ssub.s32 $0x2, s4;
	s7 =	sshll.u32 s5, $0x7  }
0x6: {  	[smem:$0x7FF] =	sst s2;
	s5 =	smul.u32 $0x500, s5;
	s7 =	sand.u32 $0x380, s7  }
0x7: {  	s31 =	sshrl.u32 s4, $0x1;
	_ =	strace $0x80000047;
	s6 =	sor.u32 s6, s7  }
0x8: {  	s5 =	sadd.s32 s5, s3;
	s7 =	ssub.s32 s4, s31;
	s6 =	sshrl.u32 s6, $0x3  }
0x9: {  	s6 =	sadd.s32 s6, s3;
	s3 =	sadd.s32 $0x16000, s5;
	s5 =	smax.u32 s7, $0x1  }
0xa: {  	v0 =	vimm.f32 $0.0e+00;
	v1 =	vimm.f32 $1.000000000e+00;
	s7 =	simm.s32 $0x2800;
	s4 =	sadd.s32 $0x20000, s6;
	s6 =	simm.s32 $0x1  }
.LBB2_1:
0xb: {  	s10 =	simm.s32 $0x40;
	s11 =	simm.s32 $0x0  }
.LBB2_2:
0xc: {  	p0 =	sne.s32 s10, $0x9FC0;
	[tilespmem:s11+$0x2800] =	vst v0;
	s11 =	smov.u32 s10;
	s10 =	sadd.s32 $0x40, s10  }
.Ltmp0:
0xd: {  	(pc) =	sbr.rel @p0 .LBB2_2-.Ltmp0, $2  }
0xe: {  	_ =	sdelay $0x2  }
0xf: {  	s11 =	sshra.s32 s11, $0x2  }
0x10: {  	[tilespmem:s11+$0x2800] =	vst v0;
	s10 =	simm.s32 $0x0  }
0x11: {  	[tilespmem:s10], [sflag:$0x1] =	stream.linear.gather [hbm4b:s3+s10], $0x2800, $0x38;
	[tilespmem:$0x5000] =	vst v63  }
0x12: {  	_ =	swait.ge [sflag:s6], $0x2800  }
0x13: {  	[sflag:s6] =	ssyncset.done $0x0  }
0x14: {  	s11 =	simm.s32 $0x0;
	[sflag:s6] =	ssyncadd.s32 $0xFFFFD800  }
.LBB2_4:
0x15: {  	s12 =	sand.u32 $0x3800, s11;
	s13 =	sand.u32 $0x380, s10  }
0x16: {  	s12 =	sor.u32 s13, s12  }
0x17: {  	v2 =	vld [tilespmem:s12+$0x0];
	_ =	sdelay $0x7  }
0x18: {  	[tilespmem:v2+s7+$0x0] =	vst.idx.add.f32.msk $0xffff, v1  }
0x19: {  	v2 =	vld [tilespmem:s12+$0x10];
	_ =	sdelay $0x7  }
0x1a: {  	[tilespmem:v2+s7+$0x0] =	vst.idx.add.f32.msk $0xffff, v1  }
0x1b: {  	v2 =	vld [tilespmem:s12+$0x20];
	_ =	sdelay $0x7  }
0x1c: {  	[tilespmem:v2+s7+$0x0] =	vst.idx.add.f32.msk $0xffff, v1  }
0x1d: {  	v2 =	vld [tilespmem:s12+$0x30];
	_ =	sdelay $0x7  }
0x1e: {  	[tilespmem:v2+s7+$0x0] =	vst.idx.add.f32.msk $0xffff, v1  }
0x1f: {  	v2 =	vld [tilespmem:s12+$0x40];
	_ =	sdelay $0x7  }
0x20: {  	[tilespmem:v2+s7+$0x0] =	vst.idx.add.f32.msk $0xffff, v1  }
0x21: {  	v2 =	vld [tilespmem:s12+$0x50];
	_ =	sdelay $0x7  }
0x22: {  	[tilespmem:v2+s7+$0x0] =	vst.idx.add.f32.msk $0xffff, v1  }
0x23: {  	v2 =	vld [tilespmem:s12+$0x60];
	_ =	sdelay $0x7  }
0x24: {  	[tilespmem:v2+s7+$0x0] =	vst.idx.add.f32.msk $0xffff, v1  }
0x25: {  	v2 =	vld [tilespmem:s12+$0x70];
	_ =	sdelay $0x7  }
0x26: {  	[tilespmem:v2+s7+$0x0] =	vst.idx.add.f32.msk $0xffff, v1  }
0x27: {  	v2 =	vld [tilespmem:s12+$0x400];
	_ =	sdelay $0x7  }
0x28: {  	[tilespmem:v2+s7+$0x0] =	vst.idx.add.f32.msk $0xffff, v1  }
0x29: {  	v2 =	vld [tilespmem:s12+$0x410];
	_ =	sdelay $0x7  }
0x2a: {  	[tilespmem:v2+s7+$0x0] =	vst.idx.add.f32.msk $0xffff, v1  }
0x2b: {  	v2 =	vld [tilespmem:s12+$0x420];
	_ =	sdelay $0x7  }
0x2c: {  	[tilespmem:v2+s7+$0x0] =	vst.idx.add.f32.msk $0xffff, v1  }
0x2d: {  	v2 =	vld [tilespmem:s12+$0x430];
	_ =	sdelay $0x7  }
0x2e: {  	[tilespmem:v2+s7+$0x0] =	vst.idx.add.f32.msk $0xffff, v1  }
0x2f: {  	v2 =	vld [tilespmem:s12+$0x440];
	_ =	sdelay $0x7  }
0x30: {  	[tilespmem:v2+s7+$0x0] =	vst.idx.add.f32.msk $0xffff, v1  }
0x31: {  	v2 =	vld [tilespmem:s12+$0x450];
	_ =	sdelay $0x7  }
0x32: {  	[tilespmem:v2+s7+$0x0] =	vst.idx.add.f32.msk $0xffff, v1  }
0x33: {  	v2 =	vld [tilespmem:s12+$0x460];
	_ =	sdelay $0x7  }
0x34: {  	[tilespmem:v2+s7+$0x0] =	vst.idx.add.f32.msk $0xffff, v1  }
0x35: {  	v2 =	vld [tilespmem:s12+$0x470];
	_ =	sdelay $0x2  }
0x36: {  	p0 =	sne.s32 s11, $0x2700  }
.Ltmp1:
0x37: {  	_ = 	snop;
	(pc) =	sbr.rel @p0 .LBB2_4-.Ltmp1, $2  }
0x38: {  	_ =	sdelay $0x2  }
0x39: {  	s10 =	sadd.s32 $0x80, s10;
	s11 =	sadd.s32 $0x100, s11;
	[tilespmem:v2+s7+$0x0] =	vst.idx.add.f32.msk $0xffff, v1  }
0x3a: {  	s2 =	sadd.s32 $0x1, s2  }
0x3b: {  	p0 =	sne.s32 s2, s5  }
.Ltmp2:
0x3c: {  	_ = 	snop;
	(pc) =	sbr.rel @p0 .LBB2_1-.Ltmp2, $4  }
0x3d: {  	[hbm4b:s4+s8] =	stream.strided.scatter [tilespmem:s7], [sflag:$0x1], $0x2800, s9, s8, $0x38;
	[tilespmem:$0x5000] =	vst v63  }
0x3e: {  	_ =	swait.ge [sflag:s6], $0x2800  }
0x3f: {  	[sflag:s6] =	ssyncset.done $0x0  }
0x40: {  	[sflag:s6] =	ssyncadd.s32 $0xFFFFD800  }
0x41: {  	_ =	sfence.sel $0x180000  }
0x42: {  	[bflag:$0x0] =	sbarrier.arrive $0xFFFF  }
0x43: {  	p0 =	sne.s32 s0, $0x0;
	_ =	strace $0x90000047  }
0x44: {  	s0 =	sadd.s32 @!p0 $0x100000, s1;
	[bflag:$0x2] =	sbarrier.arrive $0xFFFF  }
0x45: {  	[sflag:s0] =	ssyncadd.tile.s32 @!p0 $0x1;
	_ =	shalt  }
.Lfunc_end2:
_tile_overlayer_lowered:
.L_overlay_start_2:
0x46: {  	(tag) =	ssettag $0x2  }
0x47: {  	s0 =	rddreg [dreg:$0x0];
	s2 =	stileid.u32  }
0x48: {  	s1 =	rddreg [dreg:$0x1];
	p0 =	sne.s32 s2, $0x0  }
0x49: {  	s3 =	rddreg [dreg:$0x2];
	[bflag:$0x3] =	sbarrier.arrive $0xFFFF;
	s2 =	simm.s32 @!p0 $0x1C01  }
0x4a: {  	[timem:s3], [sflag:s2] =	dma.local @!p0 [hbm:s0], s1  }
0x4b: {  	s0 =	simm.s32 @!p0 $0x1  }
0x4c: {  	_ =	swait.ge @!p0 [sflag:s0], s1  }
0x4d: {  	s1 =	ssub.s32 @!p0 $0x0, s1;
	[sflag:s0] =	ssyncset.done @!p0 $0x0  }
0x4e: {  	[sflag:s0] =	ssyncadd.s32 @!p0 s1  }
0x4f: {  	[bflag:$0x3] =	sbarrier.arrive $0xFFFF  }
0x50: {  	_ =	shalt  }

</sc_bundles>
